<compile_context>
chip_gen: v7x
topology: tpu7x:2x2x1
jax: 0.10.2.dev20260603
libtpu: 0.0.44.dev20260713+nightly
codegen_flags: <defaults>
</compile_context>

<pallas_src>
import functools

import jax
import jax.numpy as jnp
from jax import lax
from jax.experimental import pallas as pl
from jax.experimental.pallas import tpu as pltpu
from jax.experimental.pallas import tpu_sc as plsc

@functools.lru_cache(maxsize=None)
def _make_gather(n_idx, d):
    info = plsc.get_sparse_core_info()
    nw = info.num_cores * info.num_subcores
    assert n_idx % nw == 0
    b_per_w = n_idx // nw
    chunk = 256
    nbuf = 3
    assert b_per_w % chunk == 0
    n_chunks = b_per_w // chunk

    mesh = plsc.VectorSubcoreMesh(core_axis_name="c", subcore_axis_name="s")

    @functools.partial(
        pl.kernel,
        out_type=jax.ShapeDtypeStruct((n_idx, d), jnp.float32),
        mesh=mesh,
        scratch_types=[
            pltpu.VMEM((b_per_w,), jnp.int32),
            pltpu.SemaphoreType.DMA,
        ]
        + [pltpu.VMEM((chunk, d), jnp.float32) for _ in range(nbuf)]
        + [pltpu.SemaphoreType.DMA for _ in range(2 * nbuf)],
    )
    def gather(table_hbm, idx_hbm, out_hbm, idx_v, isem, *scratch):
        bufs = scratch[:nbuf]
        gsem = scratch[nbuf : 2 * nbuf]
        osem = scratch[2 * nbuf :]
        wid = lax.axis_index("s") * info.num_cores + lax.axis_index("c")
        base = wid * b_per_w
        pltpu.sync_copy(idx_hbm.at[pl.ds(base, chunk)], idx_v.at[pl.ds(0, chunk)])
        h_idx = pltpu.async_copy(
            idx_hbm.at[pl.ds(base + chunk, b_per_w - chunk)],
            idx_v.at[pl.ds(chunk, b_per_w - chunk)],
            isem,
        )

        def start_gather(c, b):
            return pltpu.async_copy(
                table_hbm.at[idx_v.at[pl.ds(c * chunk, chunk)]], bufs[b], gsem[b]
            )

        def start_out(c, b):
            return pltpu.async_copy(
                bufs[b], out_hbm.at[pl.ds(base + c * chunk, chunk)], osem[b]
            )

        h_g = [None] * nbuf
        h_o = [None] * nbuf
        h_g[0] = start_gather(0, 0)
        h_idx.wait()
        for c in range(1, min(nbuf - 1, n_chunks)):
            h_g[c] = start_gather(c, c)
        for c in range(n_chunks):
            b = c % nbuf
            pf = c + nbuf - 1
            if pf < n_chunks:
                nb = pf % nbuf
                if h_o[nb] is not None:
                    h_o[nb].wait()
                h_g[nb] = start_gather(pf, nb)
            h_g[b].wait()
            h_o[b] = start_out(c, b)
        for b in range(nbuf):
            if h_o[b] is not None:
                h_o[b].wait()

    return gather


def kernel(x, W_E):
    b, p = x.shape
    d = W_E.shape[0]
    idx = x.reshape(-1).astype(jnp.int32)
    table = W_E.T
    out = _make_gather(idx.shape[0], d)(table, idx)
    return out.reshape(b, p, d)

# --- scband reference (transcript-rebuilt; emitter-appended) ---
"""Pipeline reference for scband-embed-1297080123787 (READ-ONLY COPY).

The authoritative reference and input builder live on the scoring server;
editing this copy changes nothing except your own understanding.
"""

import jax, jax.numpy as jnp
import numpy as np

D_VOCAB = 100000
D_MODEL = 128
BATCH = 1024
POS = 200

def setup_inputs(seed: int = 0) -> dict:
    key = jax.random.key(seed)
    k1, k2 = jax.random.split(key)
    x = jax.random.randint(k1, (BATCH, POS), 0, D_VOCAB, dtype=jnp.int64 if jax.config.jax_enable_x64 else jnp.int32)
    W_E = jax.random.normal(k2, (D_MODEL, D_VOCAB), dtype=jnp.float32) / np.sqrt(D_MODEL)
    return {"x": x, "W_E": W_E}

def reference(x, W_E):
    # torch: einsum('dbp -> bpd', W_E[:, x])
    # W_E[:, x] has shape [d, b, p]; gather columns then permute to [b, p, d]
    gathered = jnp.take(W_E, x, axis=1)  # [d, b, p]
    return jnp.transpose(gathered, (1, 2, 0))  # [b, p, d]

if __name__ == "__main__":
    import jax
    _d = setup_inputs()
    print(jax.jit(kernel)(*tuple(_d.values())))

</pallas_src>

<mosaic_0001>
#map = affine_map<(d0, d1) -> (0, 0)>
#map1 = affine_map<(d0, d1) -> (0)>
module attributes {stable_mosaic.version = 14 : i64} {
  func.func @gather(%arg0: i32, %arg1: i32, %arg2: memref<100000x128xf32, #tpu.memory_space<hbm>>, %arg3: memref<204800xi32, #tpu.memory_space<hbm>>, %arg4: memref<204800x128xf32, #tpu.memory_space<hbm>>, %arg5: memref<6400xi32, #tpu.memory_space<vmem>>, %arg6: memref<!tpu.dma_semaphore, #tpu.memory_space<semaphore_mem>>, %arg7: memref<256x128xf32, #tpu.memory_space<vmem>>, %arg8: memref<256x128xf32, #tpu.memory_space<vmem>>, %arg9: memref<256x128xf32, #tpu.memory_space<vmem>>, %arg10: memref<!tpu.dma_semaphore, #tpu.memory_space<semaphore_mem>>, %arg11: memref<!tpu.dma_semaphore, #tpu.memory_space<semaphore_mem>>, %arg12: memref<!tpu.dma_semaphore, #tpu.memory_space<semaphore_mem>>, %arg13: memref<!tpu.dma_semaphore, #tpu.memory_space<semaphore_mem>>, %arg14: memref<!tpu.dma_semaphore, #tpu.memory_space<semaphore_mem>>, %arg15: memref<!tpu.dma_semaphore, #tpu.memory_space<semaphore_mem>>) attributes {dimension_semantics = [#tpu.dimension_semantics<core_parallel>, #tpu.dimension_semantics<subcore_parallel>], iteration_bounds = array<i64: 2, 16>, scalar_prefetch = 0 : i64, scratch_operands = 11 : i64, tpu.core_type = #tpu.core_type<sc_vector_subcore>, window_params = [{transform_indices = #map}, {transform_indices = #map1}, {transform_indices = #map}]} {
    %mul3A = arith.constant 2 : i32
    %mul3A_0 = arith.muli %arg1, %mul3A : i32
    %add3A = arith.addi %mul3A_0, %arg0 : i32
    %mul3A_1 = arith.constant 6400 : i32
    %mul3A_2 = arith.muli %add3A, %mul3A_1 : i32
    "tpu.region"() ({
      %run_scoped3A = tpu.sem_alloc : memref<!tpu.dma_semaphore, #tpu.memory_space<semaphore_mem>>
      %dma_start3A_515 = arith.constant 0 : i32
      %dma_start3A_516 = tpu.memref_slice %arg5[%dma_start3A_515] : memref<6400xi32, #tpu.memory_space<vmem>> -> memref<256xi32, #tpu.memory_space<vmem>>
      %dma_start3A_517 = tpu.memref_slice %arg3[%mul3A_2] : memref<204800xi32, #tpu.memory_space<hbm>> -> memref<256xi32, #tpu.memory_space<hbm>>
      %dma_start3A_518 = arith.constant 0 : i32
      %dma_start3A_519 = tpu.memref_slice %arg5[%dma_start3A_518] : memref<6400xi32, #tpu.memory_space<vmem>> -> memref<256xi32, #tpu.memory_space<vmem>>
      %dma_start3A_520 = tpu.memref_slice %arg3[%mul3A_2] : memref<204800xi32, #tpu.memory_space<hbm>> -> memref<256xi32, #tpu.memory_space<hbm>>
      tpu.enqueue_dma source(%dma_start3A_520 : memref<256xi32, #tpu.memory_space<hbm>>) target(%dma_start3A_519 : memref<256xi32, #tpu.memory_space<vmem>>) target_semaphore(%run_scoped3A : memref<!tpu.dma_semaphore, #tpu.memory_space<semaphore_mem>>)
      %dma_wait3A_521 = arith.constant 0 : i32
      %dma_wait3A_522 = tpu.memref_slice %arg5[%dma_wait3A_521] : memref<6400xi32, #tpu.memory_space<vmem>> -> memref<256xi32, #tpu.memory_space<vmem>>
      %dma_wait3A_523 = tpu.memref_slice %arg3[%mul3A_2] : memref<204800xi32, #tpu.memory_space<hbm>> -> memref<256xi32, #tpu.memory_space<hbm>>
      %dma_wait3A_524 = arith.constant 0 : i32
      %dma_wait3A_525 = tpu.memref_slice %arg5[%dma_wait3A_524] : memref<6400xi32, #tpu.memory_space<vmem>> -> memref<256xi32, #tpu.memory_space<vmem>>
      %dma_wait3A_526 = tpu.memref_slice %arg3[%mul3A_2] : memref<204800xi32, #tpu.memory_space<hbm>> -> memref<256xi32, #tpu.memory_space<hbm>>
      tpu.wait_dma2 semaphore(%run_scoped3A : memref<!tpu.dma_semaphore, #tpu.memory_space<semaphore_mem>>) src(%dma_wait3A_526 : memref<256xi32, #tpu.memory_space<hbm>>) dst(%dma_wait3A_525 : memref<256xi32, #tpu.memory_space<vmem>>)
      tpu.yield
    }) : () -> ()
    %add3A_3 = arith.constant 256 : i32
    %add3A_4 = arith.addi %mul3A_2, %add3A_3 : i32
    %dma_start3A = arith.constant 256 : i32
    %dma_start3A_5 = tpu.memref_slice %arg5[%dma_start3A] : memref<6400xi32, #tpu.memory_space<vmem>> -> memref<6144xi32, #tpu.memory_space<vmem>>
    %dma_start3A_6 = tpu.memref_slice %arg3[%add3A_4] : memref<204800xi32, #tpu.memory_space<hbm>> -> memref<6144xi32, #tpu.memory_space<hbm>>
    %dma_start3A_7 = arith.constant 256 : i32
    %dma_start3A_8 = tpu.memref_slice %arg5[%dma_start3A_7] : memref<6400xi32, #tpu.memory_space<vmem>> -> memref<6144xi32, #tpu.memory_space<vmem>>
    %dma_start3A_9 = tpu.memref_slice %arg3[%add3A_4] : memref<204800xi32, #tpu.memory_space<hbm>> -> memref<6144xi32, #tpu.memory_space<hbm>>
    tpu.enqueue_dma source(%dma_start3A_9 : memref<6144xi32, #tpu.memory_space<hbm>>) target(%dma_start3A_8 : memref<6144xi32, #tpu.memory_space<vmem>>) target_semaphore(%arg6 : memref<!tpu.dma_semaphore, #tpu.memory_space<semaphore_mem>>)
    %dma_start3A_10 = arith.constant 0 : i32
    %dma_start3A_11 = tpu.memref_slice %arg5[%dma_start3A_10] : memref<6400xi32, #tpu.memory_space<vmem>> -> memref<256xi32, #tpu.memory_space<vmem>>
    %dma_start3A_12 = arith.constant 0 : i32
    %dma_start3A_13 = arith.constant 0 : i32
    %dma_start3A_14 = tpu.memref_slice %arg2[%dma_start3A_12, %dma_start3A_13] : memref<100000x128xf32, #tpu.memory_space<hbm>> -> memref<100000x128xf32, #tpu.memory_space<hbm>>
    tpu.enqueue_indirect_dma source(%dma_start3A_14 : memref<100000x128xf32, #tpu.memory_space<hbm>>) target(%arg7 : memref<256x128xf32, #tpu.memory_space<vmem>>) offsets(%dma_start3A_11 : memref<256xi32, #tpu.memory_space<vmem>>) semaphore(%arg10 : memref<!tpu.dma_semaphore, #tpu.memory_space<semaphore_mem>>)
    %dma_wait3A = arith.constant 256 : i32
    %dma_wait3A_15 = tpu.memref_slice %arg5[%dma_wait3A] : memref<6400xi32, #tpu.memory_space<vmem>> -> memref<6144xi32, #tpu.memory_space<vmem>>
    %dma_wait3A_16 = tpu.memref_slice %arg3[%add3A_4] : memref<204800xi32, #tpu.memory_space<hbm>> -> memref<6144xi32, #tpu.memory_space<hbm>>
    %dma_wait3A_17 = arith.constant 256 : i32
    %dma_wait3A_18 = tpu.memref_slice %arg5[%dma_wait3A_17] : memref<6400xi32, #tpu.memory_space<vmem>> -> memref<6144xi32, #tpu.memory_space<vmem>>
    %dma_wait3A_19 = tpu.memref_slice %arg3[%add3A_4] : memref<204800xi32, #tpu.memory_space<hbm>> -> memref<6144xi32, #tpu.memory_space<hbm>>
    tpu.wait_dma2 semaphore(%arg6 : memref<!tpu.dma_semaphore, #tpu.memory_space<semaphore_mem>>) src(%dma_wait3A_19 : memref<6144xi32, #tpu.memory_space<hbm>>) dst(%dma_wait3A_18 : memref<6144xi32, #tpu.memory_space<vmem>>)
    %dma_start3A_20 = arith.constant 256 : i32
    %dma_start3A_21 = tpu.memref_slice %arg5[%dma_start3A_20] : memref<6400xi32, #tpu.memory_space<vmem>> -> memref<256xi32, #tpu.memory_space<vmem>>
    %dma_start3A_22 = arith.constant 0 : i32
    %dma_start3A_23 = arith.constant 0 : i32
    %dma_start3A_24 = tpu.memref_slice %arg2[%dma_start3A_22, %dma_start3A_23] : memref<100000x128xf32, #tpu.memory_space<hbm>> -> memref<100000x128xf32, #tpu.memory_space<hbm>>
    tpu.enqueue_indirect_dma source(%dma_start3A_24 : memref<100000x128xf32, #tpu.memory_space<hbm>>) target(%arg8 : memref<256x128xf32, #tpu.memory_space<vmem>>) offsets(%dma_start3A_21 : memref<256xi32, #tpu.memory_space<vmem>>) semaphore(%arg11 : memref<!tpu.dma_semaphore, #tpu.memory_space<semaphore_mem>>)
    %dma_start3A_25 = arith.constant 512 : i32
    %dma_start3A_26 = tpu.memref_slice %arg5[%dma_start3A_25] : memref<6400xi32, #tpu.memory_space<vmem>> -> memref<256xi32, #tpu.memory_space<vmem>>
    %dma_start3A_27 = arith.constant 0 : i32
    %dma_start3A_28 = arith.constant 0 : i32
    %dma_start3A_29 = tpu.memref_slice %arg2[%dma_start3A_27, %dma_start3A_28] : memref<100000x128xf32, #tpu.memory_space<hbm>> -> memref<100000x128xf32, #tpu.memory_space<hbm>>
    tpu.enqueue_indirect_dma source(%dma_start3A_29 : memref<100000x128xf32, #tpu.memory_space<hbm>>) target(%arg9 : memref<256x128xf32, #tpu.memory_space<vmem>>) offsets(%dma_start3A_26 : memref<256xi32, #tpu.memory_space<vmem>>) semaphore(%arg12 : memref<!tpu.dma_semaphore, #tpu.memory_space<semaphore_mem>>)
    %dma_wait3A_30 = arith.constant 0 : i32
    %dma_wait3A_31 = tpu.memref_slice %arg5[%dma_wait3A_30] : memref<6400xi32, #tpu.memory_space<vmem>> -> memref<256xi32, #tpu.memory_space<vmem>>
    %dma_wait3A_32 = arith.constant 0 : i32
    %dma_wait3A_33 = arith.constant 0 : i32
    %dma_wait3A_34 = tpu.memref_slice %arg2[%dma_wait3A_32, %dma_wait3A_33] : memref<100000x128xf32, #tpu.memory_space<hbm>> -> memref<100000x128xf32, #tpu.memory_space<hbm>>
    tpu.wait_indirect_dma semaphore(%arg10 : memref<!tpu.dma_semaphore, #tpu.memory_space<semaphore_mem>>) src(%dma_wait3A_34 : memref<100000x128xf32, #tpu.memory_space<hbm>>) dst(%arg7 : memref<256x128xf32, #tpu.memory_space<vmem>>)
    %add3A_35 = arith.constant 0 : i32
    %add3A_36 = arith.addi %mul3A_2, %add3A_35 : i32
    %dma_start3A_37 = arith.constant 0 : i32
    %dma_start3A_38 = tpu.memref_slice %arg4[%add3A_36, %dma_start3A_37] : memref<204800x128xf32, #tpu.memory_space<hbm>> -> memref<256x128xf32, #tpu.memory_space<hbm>>
    %dma_start3A_39 = arith.constant 0 : i32
    %dma_start3A_40 = tpu.memref_slice %arg4[%add3A_36, %dma_start3A_39] : memref<204800x128xf32, #tpu.memory_space<hbm>> -> memref<256x128xf32, #tpu.memory_space<hbm>>
    tpu.enqueue_dma source(%arg7 : memref<256x128xf32, #tpu.memory_space<vmem>>) target(%dma_start3A_40 : memref<256x128xf32, #tpu.memory_space<hbm>>) target_semaphore(%arg13 : memref<!tpu.dma_semaphore, #tpu.memory_space<semaphore_mem>>)
    %dma_wait3A_41 = arith.constant 0 : i32
    %dma_wait3A_42 = tpu.memref_slice %arg4[%add3A_36, %dma_wait3A_41] : memref<204800x128xf32, #tpu.memory_space<hbm>> -> memref<256x128xf32, #tpu.memory_space<hbm>>
    %dma_wait3A_43 = arith.constant 0 : i32
    %dma_wait3A_44 = tpu.memref_slice %arg4[%add3A_36, %dma_wait3A_43] : memref<204800x128xf32, #tpu.memory_space<hbm>> -> memref<256x128xf32, #tpu.memory_space<hbm>>
    tpu.wait_dma2 semaphore(%arg13 : memref<!tpu.dma_semaphore, #tpu.memory_space<semaphore_mem>>) src(%arg7 : memref<256x128xf32, #tpu.memory_space<vmem>>) dst(%dma_wait3A_44 : memref<256x128xf32, #tpu.memory_space<hbm>>)
    %dma_start3A_45 = arith.constant 768 : i32
    %dma_start3A_46 = tpu.memref_slice %arg5[%dma_start3A_45] : memref<6400xi32, #tpu.memory_space<vmem>> -> memref<256xi32, #tpu.memory_space<vmem>>
    %dma_start3A_47 = arith.constant 0 : i32
    %dma_start3A_48 = arith.constant 0 : i32
    %dma_start3A_49 = tpu.memref_slice %arg2[%dma_start3A_47, %dma_start3A_48] : memref<100000x128xf32, #tpu.memory_space<hbm>> -> memref<100000x128xf32, #tpu.memory_space<hbm>>
    tpu.enqueue_indirect_dma source(%dma_start3A_49 : memref<100000x128xf32, #tpu.memory_space<hbm>>) target(%arg7 : memref<256x128xf32, #tpu.memory_space<vmem>>) offsets(%dma_start3A_46 : memref<256xi32, #tpu.memory_space<vmem>>) semaphore(%arg10 : memref<!tpu.dma_semaphore, #tpu.memory_space<semaphore_mem>>)
    %dma_wait3A_50 = arith.constant 256 : i32
    %dma_wait3A_51 = tpu.memref_slice %arg5[%dma_wait3A_50] : memref<6400xi32, #tpu.memory_space<vmem>> -> memref<256xi32, #tpu.memory_space<vmem>>
    %dma_wait3A_52 = arith.constant 0 : i32
    %dma_wait3A_53 = arith.constant 0 : i32
    %dma_wait3A_54 = tpu.memref_slice %arg2[%dma_wait3A_52, %dma_wait3A_53] : memref<100000x128xf32, #tpu.memory_space<hbm>> -> memref<100000x128xf32, #tpu.memory_space<hbm>>
    tpu.wait_indirect_dma semaphore(%arg11 : memref<!tpu.dma_semaphore, #tpu.memory_space<semaphore_mem>>) src(%dma_wait3A_54 : memref<100000x128xf32, #tpu.memory_space<hbm>>) dst(%arg8 : memref<256x128xf32, #tpu.memory_space<vmem>>)
    %add3A_55 = arith.constant 256 : i32
    %add3A_56 = arith.addi %mul3A_2, %add3A_55 : i32
    %dma_start3A_57 = arith.constant 0 : i32
    %dma_start3A_58 = tpu.memref_slice %arg4[%add3A_56, %dma_start3A_57] : memref<204800x128xf32, #tpu.memory_space<hbm>> -> memref<256x128xf32, #tpu.memory_space<hbm>>
    %dma_start3A_59 = arith.constant 0 : i32
    %dma_start3A_60 = tpu.memref_slice %arg4[%add3A_56, %dma_start3A_59] : memref<204800x128xf32, #tpu.memory_space<hbm>> -> memref<256x128xf32, #tpu.memory_space<hbm>>
    tpu.enqueue_dma source(%arg8 : memref<256x128xf32, #tpu.memory_space<vmem>>) target(%dma_start3A_60 : memref<256x128xf32, #tpu.memory_space<hbm>>) target_semaphore(%arg14 : memref<!tpu.dma_semaphore, #tpu.memory_space<semaphore_mem>>)
    %dma_wait3A_61 = arith.constant 0 : i32
    %dma_wait3A_62 = tpu.memref_slice %arg4[%add3A_56, %dma_wait3A_61] : memref<204800x128xf32, #tpu.memory_space<hbm>> -> memref<256x128xf32, #tpu.memory_space<hbm>>
    %dma_wait3A_63 = arith.constant 0 : i32
    %dma_wait3A_64 = tpu.memref_slice %arg4[%add3A_56, %dma_wait3A_63] : memref<204800x128xf32, #tpu.memory_space<hbm>> -> memref<256x128xf32, #tpu.memory_space<hbm>>
    tpu.wait_dma2 semaphore(%arg14 : memref<!tpu.dma_semaphore, #tpu.memory_space<semaphore_mem>>) src(%arg8 : memref<256x128xf32, #tpu.memory_space<vmem>>) dst(%dma_wait3A_64 : memref<256x128xf32, #tpu.memory_space<hbm>>)
    %dma_start3A_65 = arith.constant 1024 : i32
    %dma_start3A_66 = tpu.memref_slice %arg5[%dma_start3A_65] : memref<6400xi32, #tpu.memory_space<vmem>> -> memref<256xi32, #tpu.memory_space<vmem>>
    %dma_start3A_67 = arith.constant 0 : i32
    %dma_start3A_68 = arith.constant 0 : i32
    %dma_start3A_69 = tpu.memref_slice %arg2[%dma_start3A_67, %dma_start3A_68] : memref<100000x128xf32, #tpu.memory_space<hbm>> -> memref<100000x128xf32, #tpu.memory_space<hbm>>
    tpu.enqueue_indirect_dma source(%dma_start3A_69 : memref<100000x128xf32, #tpu.memory_space<hbm>>) target(%arg8 : memref<256x128xf32, #tpu.memory_space<vmem>>) offsets(%dma_start3A_66 : memref<256xi32, #tpu.memory_space<vmem>>) semaphore(%arg11 : memref<!tpu.dma_semaphore, #tpu.memory_space<semaphore_mem>>)
    %dma_wait3A_70 = arith.constant 512 : i32
    %dma_wait3A_71 = tpu.memref_slice %arg5[%dma_wait3A_70] : memref<6400xi32, #tpu.memory_space<vmem>> -> memref<256xi32, #tpu.memory_space<vmem>>
    %dma_wait3A_72 = arith.constant 0 : i32
    %dma_wait3A_73 = arith.constant 0 : i32
    %dma_wait3A_74 = tpu.memref_slice %arg2[%dma_wait3A_72, %dma_wait3A_73] : memref<100000x128xf32, #tpu.memory_space<hbm>> -> memref<100000x128xf32, #tpu.memory_space<hbm>>
    tpu.wait_indirect_dma semaphore(%arg12 : memref<!tpu.dma_semaphore, #tpu.memory_space<semaphore_mem>>) src(%dma_wait3A_74 : memref<100000x128xf32, #tpu.memory_space<hbm>>) dst(%arg9 : memref<256x128xf32, #tpu.memory_space<vmem>>)
    %add3A_75 = arith.constant 512 : i32
    %add3A_76 = arith.addi %mul3A_2, %add3A_75 : i32
    %dma_start3A_77 = arith.constant 0 : i32
    %dma_start3A_78 = tpu.memref_slice %arg4[%add3A_76, %dma_start3A_77] : memref<204800x128xf32, #tpu.memory_space<hbm>> -> memref<256x128xf32, #tpu.memory_space<hbm>>
    %dma_start3A_79 = arith.constant 0 : i32
    %dma_start3A_80 = tpu.memref_slice %arg4[%add3A_76, %dma_start3A_79] : memref<204800x128xf32, #tpu.memory_space<hbm>> -> memref<256x128xf32, #tpu.memory_space<hbm>>
    tpu.enqueue_dma source(%arg9 : memref<256x128xf32, #tpu.memory_space<vmem>>) target(%dma_start3A_80 : memref<256x128xf32, #tpu.memory_space<hbm>>) target_semaphore(%arg15 : memref<!tpu.dma_semaphore, #tpu.memory_space<semaphore_mem>>)
    %dma_wait3A_81 = arith.constant 0 : i32
    %dma_wait3A_82 = tpu.memref_slice %arg4[%add3A_76, %dma_wait3A_81] : memref<204800x128xf32, #tpu.memory_space<hbm>> -> memref<256x128xf32, #tpu.memory_space<hbm>>
    %dma_wait3A_83 = arith.constant 0 : i32
    %dma_wait3A_84 = tpu.memref_slice %arg4[%add3A_76, %dma_wait3A_83] : memref<204800x128xf32, #tpu.memory_space<hbm>> -> memref<256x128xf32, #tpu.memory_space<hbm>>
    tpu.wait_dma2 semaphore(%arg15 : memref<!tpu.dma_semaphore, #tpu.memory_space<semaphore_mem>>) src(%arg9 : memref<256x128xf32, #tpu.memory_space<vmem>>) dst(%dma_wait3A_84 : memref<256x128xf32, #tpu.memory_space<hbm>>)
    %dma_start3A_85 = arith.constant 1280 : i32
    %dma_start3A_86 = tpu.memref_slice %arg5[%dma_start3A_85] : memref<6400xi32, #tpu.memory_space<vmem>> -> memref<256xi32, #tpu.memory_space<vmem>>
    %dma_start3A_87 = arith.constant 0 : i32
    %dma_start3A_88 = arith.constant 0 : i32
    %dma_start3A_89 = tpu.memref_slice %arg2[%dma_start3A_87, %dma_start3A_88] : memref<100000x128xf32, #tpu.memory_space<hbm>> -> memref<100000x128xf32, #tpu.memory_space<hbm>>
    tpu.enqueue_indirect_dma source(%dma_start3A_89 : memref<100000x128xf32, #tpu.memory_space<hbm>>) target(%arg9 : memref<256x128xf32, #tpu.memory_space<vmem>>) offsets(%dma_start3A_86 : memref<256xi32, #tpu.memory_space<vmem>>) semaphore(%arg12 : memref<!tpu.dma_semaphore, #tpu.memory_space<semaphore_mem>>)
    %dma_wait3A_90 = arith.constant 768 : i32
    %dma_wait3A_91 = tpu.memref_slice %arg5[%dma_wait3A_90] : memref<6400xi32, #tpu.memory_space<vmem>> -> memref<256xi32, #tpu.memory_space<vmem>>
    %dma_wait3A_92 = arith.constant 0 : i32
    %dma_wait3A_93 = arith.constant 0 : i32
    %dma_wait3A_94 = tpu.memref_slice %arg2[%dma_wait3A_92, %dma_wait3A_93] : memref<100000x128xf32, #tpu.memory_space<hbm>> -> memref<100000x128xf32, #tpu.memory_space<hbm>>
    tpu.wait_indirect_dma semaphore(%arg10 : memref<!tpu.dma_semaphore, #tpu.memory_space<semaphore_mem>>) src(%dma_wait3A_94 : memref<100000x128xf32, #tpu.memory_space<hbm>>) dst(%arg7 : memref<256x128xf32, #tpu.memory_space<vmem>>)
    %add3A_95 = arith.constant 768 : i32
    %add3A_96 = arith.addi %mul3A_2, %add3A_95 : i32
    %dma_start3A_97 = arith.constant 0 : i32
    %dma_start3A_98 = tpu.memref_slice %arg4[%add3A_96, %dma_start3A_97] : memref<204800x128xf32, #tpu.memory_space<hbm>> -> memref<256x128xf32, #tpu.memory_space<hbm>>
    %dma_start3A_99 = arith.constant 0 : i32
    %dma_start3A_100 = tpu.memref_slice %arg4[%add3A_96, %dma_start3A_99] : memref<204800x128xf32, #tpu.memory_space<hbm>> -> memref<256x128xf32, #tpu.memory_space<hbm>>
    tpu.enqueue_dma source(%arg7 : memref<256x128xf32, #tpu.memory_space<vmem>>) target(%dma_start3A_100 : memref<256x128xf32, #tpu.memory_space<hbm>>) target_semaphore(%arg13 : memref<!tpu.dma_semaphore, #tpu.memory_space<semaphore_mem>>)
    %dma_wait3A_101 = arith.constant 0 : i32
    %dma_wait3A_102 = tpu.memref_slice %arg4[%add3A_96, %dma_wait3A_101] : memref<204800x128xf32, #tpu.memory_space<hbm>> -> memref<256x128xf32, #tpu.memory_space<hbm>>
    %dma_wait3A_103 = arith.constant 0 : i32
    %dma_wait3A_104 = tpu.memref_slice %arg4[%add3A_96, %dma_wait3A_103] : memref<204800x128xf32, #tpu.memory_space<hbm>> -> memref<256x128xf32, #tpu.memory_space<hbm>>
    tpu.wait_dma2 semaphore(%arg13 : memref<!tpu.dma_semaphore, #tpu.memory_space<semaphore_mem>>) src(%arg7 : memref<256x128xf32, #tpu.memory_space<vmem>>) dst(%dma_wait3A_104 : memref<256x128xf32, #tpu.memory_space<hbm>>)
    %dma_start3A_105 = arith.constant 1536 : i32
    %dma_start3A_106 = tpu.memref_slice %arg5[%dma_start3A_105] : memref<6400xi32, #tpu.memory_space<vmem>> -> memref<256xi32, #tpu.memory_space<vmem>>
    %dma_start3A_107 = arith.constant 0 : i32
    %dma_start3A_108 = arith.constant 0 : i32
    %dma_start3A_109 = tpu.memref_slice %arg2[%dma_start3A_107, %dma_start3A_108] : memref<100000x128xf32, #tpu.memory_space<hbm>> -> memref<100000x128xf32, #tpu.memory_space<hbm>>
    tpu.enqueue_indirect_dma source(%dma_start3A_109 : memref<100000x128xf32, #tpu.memory_space<hbm>>) target(%arg7 : memref<256x128xf32, #tpu.memory_space<vmem>>) offsets(%dma_start3A_106 : memref<256xi32, #tpu.memory_space<vmem>>) semaphore(%arg10 : memref<!tpu.dma_semaphore, #tpu.memory_space<semaphore_mem>>)
    %dma_wait3A_110 = arith.constant 1024 : i32
    %dma_wait3A_111 = tpu.memref_slice %arg5[%dma_wait3A_110] : memref<6400xi32, #tpu.memory_space<vmem>> -> memref<256xi32, #tpu.memory_space<vmem>>
    %dma_wait3A_112 = arith.constant 0 : i32
    %dma_wait3A_113 = arith.constant 0 : i32
    %dma_wait3A_114 = tpu.memref_slice %arg2[%dma_wait3A_112, %dma_wait3A_113] : memref<100000x128xf32, #tpu.memory_space<hbm>> -> memref<100000x128xf32, #tpu.memory_space<hbm>>
    tpu.wait_indirect_dma semaphore(%arg11 : memref<!tpu.dma_semaphore, #tpu.memory_space<semaphore_mem>>) src(%dma_wait3A_114 : memref<100000x128xf32, #tpu.memory_space<hbm>>) dst(%arg8 : memref<256x128xf32, #tpu.memory_space<vmem>>)
    %add3A_115 = arith.constant 1024 : i32
    %add3A_116 = arith.addi %mul3A_2, %add3A_115 : i32
    %dma_start3A_117 = arith.constant 0 : i32
    %dma_start3A_118 = tpu.memref_slice %arg4[%add3A_116, %dma_start3A_117] : memref<204800x128xf32, #tpu.memory_space<hbm>> -> memref<256x128xf32, #tpu.memory_space<hbm>>
    %dma_start3A_119 = arith.constant 0 : i32
    %dma_start3A_120 = tpu.memref_slice %arg4[%add3A_116, %dma_start3A_119] : memref<204800x128xf32, #tpu.memory_space<hbm>> -> memref<256x128xf32, #tpu.memory_space<hbm>>
    tpu.enqueue_dma source(%arg8 : memref<256x128xf32, #tpu.memory_space<vmem>>) target(%dma_start3A_120 : memref<256x128xf32, #tpu.memory_space<hbm>>) target_semaphore(%arg14 : memref<!tpu.dma_semaphore, #tpu.memory_space<semaphore_mem>>)
    %dma_wait3A_121 = arith.constant 0 : i32
    %dma_wait3A_122 = tpu.memref_slice %arg4[%add3A_116, %dma_wait3A_121] : memref<204800x128xf32, #tpu.memory_space<hbm>> -> memref<256x128xf32, #tpu.memory_space<hbm>>
    %dma_wait3A_123 = arith.constant 0 : i32
    %dma_wait3A_124 = tpu.memref_slice %arg4[%add3A_116, %dma_wait3A_123] : memref<204800x128xf32, #tpu.memory_space<hbm>> -> memref<256x128xf32, #tpu.memory_space<hbm>>
    tpu.wait_dma2 semaphore(%arg14 : memref<!tpu.dma_semaphore, #tpu.memory_space<semaphore_mem>>) src(%arg8 : memref<256x128xf32, #tpu.memory_space<vmem>>) dst(%dma_wait3A_124 : memref<256x128xf32, #tpu.memory_space<hbm>>)
    %dma_start3A_125 = arith.constant 1792 : i32
    %dma_start3A_126 = tpu.memref_slice %arg5[%dma_start3A_125] : memref<6400xi32, #tpu.memory_space<vmem>> -> memref<256xi32, #tpu.memory_space<vmem>>
    %dma_start3A_127 = arith.constant 0 : i32
    %dma_start3A_128 = arith.constant 0 : i32
    %dma_start3A_129 = tpu.memref_slice %arg2[%dma_start3A_127, %dma_start3A_128] : memref<100000x128xf32, #tpu.memory_space<hbm>> -> memref<100000x128xf32, #tpu.memory_space<hbm>>
    tpu.enqueue_indirect_dma source(%dma_start3A_129 : memref<100000x128xf32, #tpu.memory_space<hbm>>) target(%arg8 : memref<256x128xf32, #tpu.memory_space<vmem>>) offsets(%dma_start3A_126 : memref<256xi32, #tpu.memory_space<vmem>>) semaphore(%arg11 : memref<!tpu.dma_semaphore, #tpu.memory_space<semaphore_mem>>)
    %dma_wait3A_130 = arith.constant 1280 : i32
    %dma_wait3A_131 = tpu.memref_slice %arg5[%dma_wait3A_130] : memref<6400xi32, #tpu.memory_space<vmem>> -> memref<256xi32, #tpu.memory_space<vmem>>
    %dma_wait3A_132 = arith.constant 0 : i32
    %dma_wait3A_133 = arith.constant 0 : i32
    %dma_wait3A_134 = tpu.memref_slice %arg2[%dma_wait3A_132, %dma_wait3A_133] : memref<100000x128xf32, #tpu.memory_space<hbm>> -> memref<100000x128xf32, #tpu.memory_space<hbm>>
    tpu.wait_indirect_dma semaphore(%arg12 : memref<!tpu.dma_semaphore, #tpu.memory_space<semaphore_mem>>) src(%dma_wait3A_134 : memref<100000x128xf32, #tpu.memory_space<hbm>>) dst(%arg9 : memref<256x128xf32, #tpu.memory_space<vmem>>)
    %add3A_135 = arith.constant 1280 : i32
    %add3A_136 = arith.addi %mul3A_2, %add3A_135 : i32
    %dma_start3A_137 = arith.constant 0 : i32
    %dma_start3A_138 = tpu.memref_slice %arg4[%add3A_136, %dma_start3A_137] : memref<204800x128xf32, #tpu.memory_space<hbm>> -> memref<256x128xf32, #tpu.memory_space<hbm>>
    %dma_start3A_139 = arith.constant 0 : i32
    %dma_start3A_140 = tpu.memref_slice %arg4[%add3A_136, %dma_start3A_139] : memref<204800x128xf32, #tpu.memory_space<hbm>> -> memref<256x128xf32, #tpu.memory_space<hbm>>
    tpu.enqueue_dma source(%arg9 : memref<256x128xf32, #tpu.memory_space<vmem>>) target(%dma_start3A_140 : memref<256x128xf32, #tpu.memory_space<hbm>>) target_semaphore(%arg15 : memref<!tpu.dma_semaphore, #tpu.memory_space<semaphore_mem>>)
    %dma_wait3A_141 = arith.constant 0 : i32
    %dma_wait3A_142 = tpu.memref_slice %arg4[%add3A_136, %dma_wait3A_141] : memref<204800x128xf32, #tpu.memory_space<hbm>> -> memref<256x128xf32, #tpu.memory_space<hbm>>
    %dma_wait3A_143 = arith.constant 0 : i32
    %dma_wait3A_144 = tpu.memref_slice %arg4[%add3A_136, %dma_wait3A_143] : memref<204800x128xf32, #tpu.memory_space<hbm>> -> memref<256x128xf32, #tpu.memory_space<hbm>>
    tpu.wait_dma2 semaphore(%arg15 : memref<!tpu.dma_semaphore, #tpu.memory_space<semaphore_mem>>) src(%arg9 : memref<256x128xf32, #tpu.memory_space<vmem>>) dst(%dma_wait3A_144 : memref<256x128xf32, #tpu.memory_space<hbm>>)
    %dma_start3A_145 = arith.constant 2048 : i32
    %dma_start3A_146 = tpu.memref_slice %arg5[%dma_start3A_145] : memref<6400xi32, #tpu.memory_space<vmem>> -> memref<256xi32, #tpu.memory_space<vmem>>
    %dma_start3A_147 = arith.constant 0 : i32
    %dma_start3A_148 = arith.constant 0 : i32
    %dma_start3A_149 = tpu.memref_slice %arg2[%dma_start3A_147, %dma_start3A_148] : memref<100000x128xf32, #tpu.memory_space<hbm>> -> memref<100000x128xf32, #tpu.memory_space<hbm>>
    tpu.enqueue_indirect_dma source(%dma_start3A_149 : memref<100000x128xf32, #tpu.memory_space<hbm>>) target(%arg9 : memref<256x128xf32, #tpu.memory_space<vmem>>) offsets(%dma_start3A_146 : memref<256xi32, #tpu.memory_space<vmem>>) semaphore(%arg12 : memref<!tpu.dma_semaphore, #tpu.memory_space<semaphore_mem>>)
    %dma_wait3A_150 = arith.constant 1536 : i32
    %dma_wait3A_151 = tpu.memref_slice %arg5[%dma_wait3A_150] : memref<6400xi32, #tpu.memory_space<vmem>> -> memref<256xi32, #tpu.memory_space<vmem>>
    %dma_wait3A_152 = arith.constant 0 : i32
    %dma_wait3A_153 = arith.constant 0 : i32
    %dma_wait3A_154 = tpu.memref_slice %arg2[%dma_wait3A_152, %dma_wait3A_153] : memref<100000x128xf32, #tpu.memory_space<hbm>> -> memref<100000x128xf32, #tpu.memory_space<hbm>>
    tpu.wait_indirect_dma semaphore(%arg10 : memref<!tpu.dma_semaphore, #tpu.memory_space<semaphore_mem>>) src(%dma_wait3A_154 : memref<100000x128xf32, #tpu.memory_space<hbm>>) dst(%arg7 : memref<256x128xf32, #tpu.memory_space<vmem>>)
    %add3A_155 = arith.constant 1536 : i32
    %add3A_156 = arith.addi %mul3A_2, %add3A_155 : i32
    %dma_start3A_157 = arith.constant 0 : i32
    %dma_start3A_158 = tpu.memref_slice %arg4[%add3A_156, %dma_start3A_157] : memref<204800x128xf32, #tpu.memory_space<hbm>> -> memref<256x128xf32, #tpu.memory_space<hbm>>
    %dma_start3A_159 = arith.constant 0 : i32
    %dma_start3A_160 = tpu.memref_slice %arg4[%add3A_156, %dma_start3A_159] : memref<204800x128xf32, #tpu.memory_space<hbm>> -> memref<256x128xf32, #tpu.memory_space<hbm>>
    tpu.enqueue_dma source(%arg7 : memref<256x128xf32, #tpu.memory_space<vmem>>) target(%dma_start3A_160 : memref<256x128xf32, #tpu.memory_space<hbm>>) target_semaphore(%arg13 : memref<!tpu.dma_semaphore, #tpu.memory_space<semaphore_mem>>)
    %dma_wait3A_161 = arith.constant 0 : i32
    %dma_wait3A_162 = tpu.memref_slice %arg4[%add3A_156, %dma_wait3A_161] : memref<204800x128xf32, #tpu.memory_space<hbm>> -> memref<256x128xf32, #tpu.memory_space<hbm>>
    %dma_wait3A_163 = arith.constant 0 : i32
    %dma_wait3A_164 = tpu.memref_slice %arg4[%add3A_156, %dma_wait3A_163] : memref<204800x128xf32, #tpu.memory_space<hbm>> -> memref<256x128xf32, #tpu.memory_space<hbm>>
    tpu.wait_dma2 semaphore(%arg13 : memref<!tpu.dma_semaphore, #tpu.memory_space<semaphore_mem>>) src(%arg7 : memref<256x128xf32, #tpu.memory_space<vmem>>) dst(%dma_wait3A_164 : memref<256x128xf32, #tpu.memory_space<hbm>>)
    %dma_start3A_165 = arith.constant 2304 : i32
    %dma_start3A_166 = tpu.memref_slice %arg5[%dma_start3A_165] : memref<6400xi32, #tpu.memory_space<vmem>> -> memref<256xi32, #tpu.memory_space<vmem>>
    %dma_start3A_167 = arith.constant 0 : i32
    %dma_start3A_168 = arith.constant 0 : i32
    %dma_start3A_169 = tpu.memref_slice %arg2[%dma_start3A_167, %dma_start3A_168] : memref<100000x128xf32, #tpu.memory_space<hbm>> -> memref<100000x128xf32, #tpu.memory_space<hbm>>
    tpu.enqueue_indirect_dma source(%dma_start3A_169 : memref<100000x128xf32, #tpu.memory_space<hbm>>) target(%arg7 : memref<256x128xf32, #tpu.memory_space<vmem>>) offsets(%dma_start3A_166 : memref<256xi32, #tpu.memory_space<vmem>>) semaphore(%arg10 : memref<!tpu.dma_semaphore, #tpu.memory_space<semaphore_mem>>)
    %dma_wait3A_170 = arith.constant 1792 : i32
    %dma_wait3A_171 = tpu.memref_slice %arg5[%dma_wait3A_170] : memref<6400xi32, #tpu.memory_space<vmem>> -> memref<256xi32, #tpu.memory_space<vmem>>
    %dma_wait3A_172 = arith.constant 0 : i32
    %dma_wait3A_173 = arith.constant 0 : i32
    %dma_wait3A_174 = tpu.memref_slice %arg2[%dma_wait3A_172, %dma_wait3A_173] : memref<100000x128xf32, #tpu.memory_space<hbm>> -> memref<100000x128xf32, #tpu.memory_space<hbm>>
    tpu.wait_indirect_dma semaphore(%arg11 : memref<!tpu.dma_semaphore, #tpu.memory_space<semaphore_mem>>) src(%dma_wait3A_174 : memref<100000x128xf32, #tpu.memory_space<hbm>>) dst(%arg8 : memref<256x128xf32, #tpu.memory_space<vmem>>)
    %add3A_175 = arith.constant 1792 : i32
    %add3A_176 = arith.addi %mul3A_2, %add3A_175 : i32
    %dma_start3A_177 = arith.constant 0 : i32
    %dma_start3A_178 = tpu.memref_slice %arg4[%add3A_176, %dma_start3A_177] : memref<204800x128xf32, #tpu.memory_space<hbm>> -> memref<256x128xf32, #tpu.memory_space<hbm>>
    %dma_start3A_179 = arith.constant 0 : i32
    %dma_start3A_180 = tpu.memref_slice %arg4[%add3A_176, %dma_start3A_179] : memref<204800x128xf32, #tpu.memory_space<hbm>> -> memref<256x128xf32, #tpu.memory_space<hbm>>
    tpu.enqueue_dma source(%arg8 : memref<256x128xf32, #tpu.memory_space<vmem>>) target(%dma_start3A_180 : memref<256x128xf32, #tpu.memory_space<hbm>>) target_semaphore(%arg14 : memref<!tpu.dma_semaphore, #tpu.memory_space<semaphore_mem>>)
    %dma_wait3A_181 = arith.constant 0 : i32
    %dma_wait3A_182 = tpu.memref_slice %arg4[%add3A_176, %dma_wait3A_181] : memref<204800x128xf32, #tpu.memory_space<hbm>> -> memref<256x128xf32, #tpu.memory_space<hbm>>
    %dma_wait3A_183 = arith.constant 0 : i32
    %dma_wait3A_184 = tpu.memref_slice %arg4[%add3A_176, %dma_wait3A_183] : memref<204800x128xf32, #tpu.memory_space<hbm>> -> memref<256x128xf32, #tpu.memory_space<hbm>>
    tpu.wait_dma2 semaphore(%arg14 : memref<!tpu.dma_semaphore, #tpu.memory_space<semaphore_mem>>) src(%arg8 : memref<256x128xf32, #tpu.memory_space<vmem>>) dst(%dma_wait3A_184 : memref<256x128xf32, #tpu.memory_space<hbm>>)
    %dma_start3A_185 = arith.constant 2560 : i32
    %dma_start3A_186 = tpu.memref_slice %arg5[%dma_start3A_185] : memref<6400xi32, #tpu.memory_space<vmem>> -> memref<256xi32, #tpu.memory_space<vmem>>
    %dma_start3A_187 = arith.constant 0 : i32
    %dma_start3A_188 = arith.constant 0 : i32
    %dma_start3A_189 = tpu.memref_slice %arg2[%dma_start3A_187, %dma_start3A_188] : memref<100000x128xf32, #tpu.memory_space<hbm>> -> memref<100000x128xf32, #tpu.memory_space<hbm>>
    tpu.enqueue_indirect_dma source(%dma_start3A_189 : memref<100000x128xf32, #tpu.memory_space<hbm>>) target(%arg8 : memref<256x128xf32, #tpu.memory_space<vmem>>) offsets(%dma_start3A_186 : memref<256xi32, #tpu.memory_space<vmem>>) semaphore(%arg11 : memref<!tpu.dma_semaphore, #tpu.memory_space<semaphore_mem>>)
    %dma_wait3A_190 = arith.constant 2048 : i32
    %dma_wait3A_191 = tpu.memref_slice %arg5[%dma_wait3A_190] : memref<6400xi32, #tpu.memory_space<vmem>> -> memref<256xi32, #tpu.memory_space<vmem>>
    %dma_wait3A_192 = arith.constant 0 : i32
    %dma_wait3A_193 = arith.constant 0 : i32
    %dma_wait3A_194 = tpu.memref_slice %arg2[%dma_wait3A_192, %dma_wait3A_193] : memref<100000x128xf32, #tpu.memory_space<hbm>> -> memref<100000x128xf32, #tpu.memory_space<hbm>>
    tpu.wait_indirect_dma semaphore(%arg12 : memref<!tpu.dma_semaphore, #tpu.memory_space<semaphore_mem>>) src(%dma_wait3A_194 : memref<100000x128xf32, #tpu.memory_space<hbm>>) dst(%arg9 : memref<256x128xf32, #tpu.memory_space<vmem>>)
    %add3A_195 = arith.constant 2048 : i32
    %add3A_196 = arith.addi %mul3A_2, %add3A_195 : i32
    %dma_start3A_197 = arith.constant 0 : i32
    %dma_start3A_198 = tpu.memref_slice %arg4[%add3A_196, %dma_start3A_197] : memref<204800x128xf32, #tpu.memory_space<hbm>> -> memref<256x128xf32, #tpu.memory_space<hbm>>
    %dma_start3A_199 = arith.constant 0 : i32
    %dma_start3A_200 = tpu.memref_slice %arg4[%add3A_196, %dma_start3A_199] : memref<204800x128xf32, #tpu.memory_space<hbm>> -> memref<256x128xf32, #tpu.memory_space<hbm>>
    tpu.enqueue_dma source(%arg9 : memref<256x128xf32, #tpu.memory_space<vmem>>) target(%dma_start3A_200 : memref<256x128xf32, #tpu.memory_space<hbm>>) target_semaphore(%arg15 : memref<!tpu.dma_semaphore, #tpu.memory_space<semaphore_mem>>)
    %dma_wait3A_201 = arith.constant 0 : i32
    %dma_wait3A_202 = tpu.memref_slice %arg4[%add3A_196, %dma_wait3A_201] : memref<204800x128xf32, #tpu.memory_space<hbm>> -> memref<256x128xf32, #tpu.memory_space<hbm>>
    %dma_wait3A_203 = arith.constant 0 : i32
    %dma_wait3A_204 = tpu.memref_slice %arg4[%add3A_196, %dma_wait3A_203] : memref<204800x128xf32, #tpu.memory_space<hbm>> -> memref<256x128xf32, #tpu.memory_space<hbm>>
    tpu.wait_dma2 semaphore(%arg15 : memref<!tpu.dma_semaphore, #tpu.memory_space<semaphore_mem>>) src(%arg9 : memref<256x128xf32, #tpu.memory_space<vmem>>) dst(%dma_wait3A_204 : memref<256x128xf32, #tpu.memory_space<hbm>>)
    %dma_start3A_205 = arith.constant 2816 : i32
    %dma_start3A_206 = tpu.memref_slice %arg5[%dma_start3A_205] : memref<6400xi32, #tpu.memory_space<vmem>> -> memref<256xi32, #tpu.memory_space<vmem>>
    %dma_start3A_207 = arith.constant 0 : i32
    %dma_start3A_208 = arith.constant 0 : i32
    %dma_start3A_209 = tpu.memref_slice %arg2[%dma_start3A_207, %dma_start3A_208] : memref<100000x128xf32, #tpu.memory_space<hbm>> -> memref<100000x128xf32, #tpu.memory_space<hbm>>
    tpu.enqueue_indirect_dma source(%dma_start3A_209 : memref<100000x128xf32, #tpu.memory_space<hbm>>) target(%arg9 : memref<256x128xf32, #tpu.memory_space<vmem>>) offsets(%dma_start3A_206 : memref<256xi32, #tpu.memory_space<vmem>>) semaphore(%arg12 : memref<!tpu.dma_semaphore, #tpu.memory_space<semaphore_mem>>)
    %dma_wait3A_210 = arith.constant 2304 : i32
    %dma_wait3A_211 = tpu.memref_slice %arg5[%dma_wait3A_210] : memref<6400xi32, #tpu.memory_space<vmem>> -> memref<256xi32, #tpu.memory_space<vmem>>
    %dma_wait3A_212 = arith.constant 0 : i32
    %dma_wait3A_213 = arith.constant 0 : i32
    %dma_wait3A_214 = tpu.memref_slice %arg2[%dma_wait3A_212, %dma_wait3A_213] : memref<100000x128xf32, #tpu.memory_space<hbm>> -> memref<100000x128xf32, #tpu.memory_space<hbm>>
    tpu.wait_indirect_dma semaphore(%arg10 : memref<!tpu.dma_semaphore, #tpu.memory_space<semaphore_mem>>) src(%dma_wait3A_214 : memref<100000x128xf32, #tpu.memory_space<hbm>>) dst(%arg7 : memref<256x128xf32, #tpu.memory_space<vmem>>)
    %add3A_215 = arith.constant 2304 : i32
    %add3A_216 = arith.addi %mul3A_2, %add3A_215 : i32
    %dma_start3A_217 = arith.constant 0 : i32
    %dma_start3A_218 = tpu.memref_slice %arg4[%add3A_216, %dma_start3A_217] : memref<204800x128xf32, #tpu.memory_space<hbm>> -> memref<256x128xf32, #tpu.memory_space<hbm>>
    %dma_start3A_219 = arith.constant 0 : i32
    %dma_start3A_220 = tpu.memref_slice %arg4[%add3A_216, %dma_start3A_219] : memref<204800x128xf32, #tpu.memory_space<hbm>> -> memref<256x128xf32, #tpu.memory_space<hbm>>
    tpu.enqueue_dma source(%arg7 : memref<256x128xf32, #tpu.memory_space<vmem>>) target(%dma_start3A_220 : memref<256x128xf32, #tpu.memory_space<hbm>>) target_semaphore(%arg13 : memref<!tpu.dma_semaphore, #tpu.memory_space<semaphore_mem>>)
    %dma_wait3A_221 = arith.constant 0 : i32
    %dma_wait3A_222 = tpu.memref_slice %arg4[%add3A_216, %dma_wait3A_221] : memref<204800x128xf32, #tpu.memory_space<hbm>> -> memref<256x128xf32, #tpu.memory_space<hbm>>
    %dma_wait3A_223 = arith.constant 0 : i32
    %dma_wait3A_224 = tpu.memref_slice %arg4[%add3A_216, %dma_wait3A_223] : memref<204800x128xf32, #tpu.memory_space<hbm>> -> memref<256x128xf32, #tpu.memory_space<hbm>>
    tpu.wait_dma2 semaphore(%arg13 : memref<!tpu.dma_semaphore, #tpu.memory_space<semaphore_mem>>) src(%arg7 : memref<256x128xf32, #tpu.memory_space<vmem>>) dst(%dma_wait3A_224 : memref<256x128xf32, #tpu.memory_space<hbm>>)
    %dma_start3A_225 = arith.constant 3072 : i32
    %dma_start3A_226 = tpu.memref_slice %arg5[%dma_start3A_225] : memref<6400xi32, #tpu.memory_space<vmem>> -> memref<256xi32, #tpu.memory_space<vmem>>
    %dma_start3A_227 = arith.constant 0 : i32
    %dma_start3A_228 = arith.constant 0 : i32
    %dma_start3A_229 = tpu.memref_slice %arg2[%dma_start3A_227, %dma_start3A_228] : memref<100000x128xf32, #tpu.memory_space<hbm>> -> memref<100000x128xf32, #tpu.memory_space<hbm>>
    tpu.enqueue_indirect_dma source(%dma_start3A_229 : memref<100000x128xf32, #tpu.memory_space<hbm>>) target(%arg7 : memref<256x128xf32, #tpu.memory_space<vmem>>) offsets(%dma_start3A_226 : memref<256xi32, #tpu.memory_space<vmem>>) semaphore(%arg10 : memref<!tpu.dma_semaphore, #tpu.memory_space<semaphore_mem>>)
    %dma_wait3A_230 = arith.constant 2560 : i32
    %dma_wait3A_231 = tpu.memref_slice %arg5[%dma_wait3A_230] : memref<6400xi32, #tpu.memory_space<vmem>> -> memref<256xi32, #tpu.memory_space<vmem>>
    %dma_wait3A_232 = arith.constant 0 : i32
    %dma_wait3A_233 = arith.constant 0 : i32
    %dma_wait3A_234 = tpu.memref_slice %arg2[%dma_wait3A_232, %dma_wait3A_233] : memref<100000x128xf32, #tpu.memory_space<hbm>> -> memref<100000x128xf32, #tpu.memory_space<hbm>>
    tpu.wait_indirect_dma semaphore(%arg11 : memref<!tpu.dma_semaphore, #tpu.memory_space<semaphore_mem>>) src(%dma_wait3A_234 : memref<100000x128xf32, #tpu.memory_space<hbm>>) dst(%arg8 : memref<256x128xf32, #tpu.memory_space<vmem>>)
    %add3A_235 = arith.constant 2560 : i32
    %add3A_236 = arith.addi %mul3A_2, %add3A_235 : i32
    %dma_start3A_237 = arith.constant 0 : i32
    %dma_start3A_238 = tpu.memref_slice %arg4[%add3A_236, %dma_start3A_237] : memref<204800x128xf32, #tpu.memory_space<hbm>> -> memref<256x128xf32, #tpu.memory_space<hbm>>
    %dma_start3A_239 = arith.constant 0 : i32
    %dma_start3A_240 = tpu.memref_slice %arg4[%add3A_236, %dma_start3A_239] : memref<204800x128xf32, #tpu.memory_space<hbm>> -> memref<256x128xf32, #tpu.memory_space<hbm>>
    tpu.enqueue_dma source(%arg8 : memref<256x128xf32, #tpu.memory_space<vmem>>) target(%dma_start3A_240 : memref<256x128xf32, #tpu.memory_space<hbm>>) target_semaphore(%arg14 : memref<!tpu.dma_semaphore, #tpu.memory_space<semaphore_mem>>)
    %dma_wait3A_241 = arith.constant 0 : i32
    %dma_wait3A_242 = tpu.memref_slice %arg4[%add3A_236, %dma_wait3A_241] : memref<204800x128xf32, #tpu.memory_space<hbm>> -> memref<256x128xf32, #tpu.memory_space<hbm>>
    %dma_wait3A_243 = arith.constant 0 : i32
    %dma_wait3A_244 = tpu.memref_slice %arg4[%add3A_236, %dma_wait3A_243] : memref<204800x128xf32, #tpu.memory_space<hbm>> -> memref<256x128xf32, #tpu.memory_space<hbm>>
    tpu.wait_dma2 semaphore(%arg14 : memref<!tpu.dma_semaphore, #tpu.memory_space<semaphore_mem>>) src(%arg8 : memref<256x128xf32, #tpu.memory_space<vmem>>) dst(%dma_wait3A_244 : memref<256x128xf32, #tpu.memory_space<hbm>>)
    %dma_start3A_245 = arith.constant 3328 : i32
    %dma_start3A_246 = tpu.memref_slice %arg5[%dma_start3A_245] : memref<6400xi32, #tpu.memory_space<vmem>> -> memref<256xi32, #tpu.memory_space<vmem>>
    %dma_start3A_247 = arith.constant 0 : i32
    %dma_start3A_248 = arith.constant 0 : i32
    %dma_start3A_249 = tpu.memref_slice %arg2[%dma_start3A_247, %dma_start3A_248] : memref<100000x128xf32, #tpu.memory_space<hbm>> -> memref<100000x128xf32, #tpu.memory_space<hbm>>
    tpu.enqueue_indirect_dma source(%dma_start3A_249 : memref<100000x128xf32, #tpu.memory_space<hbm>>) target(%arg8 : memref<256x128xf32, #tpu.memory_space<vmem>>) offsets(%dma_start3A_246 : memref<256xi32, #tpu.memory_space<vmem>>) semaphore(%arg11 : memref<!tpu.dma_semaphore, #tpu.memory_space<semaphore_mem>>)
    %dma_wait3A_250 = arith.constant 2816 : i32
    %dma_wait3A_251 = tpu.memref_slice %arg5[%dma_wait3A_250] : memref<6400xi32, #tpu.memory_space<vmem>> -> memref<256xi32, #tpu.memory_space<vmem>>
    %dma_wait3A_252 = arith.constant 0 : i32
    %dma_wait3A_253 = arith.constant 0 : i32
    %dma_wait3A_254 = tpu.memref_slice %arg2[%dma_wait3A_252, %dma_wait3A_253] : memref<100000x128xf32, #tpu.memory_space<hbm>> -> memref<100000x128xf32, #tpu.memory_space<hbm>>
    tpu.wait_indirect_dma semaphore(%arg12 : memref<!tpu.dma_semaphore, #tpu.memory_space<semaphore_mem>>) src(%dma_wait3A_254 : memref<100000x128xf32, #tpu.memory_space<hbm>>) dst(%arg9 : memref<256x128xf32, #tpu.memory_space<vmem>>)
    %add3A_255 = arith.constant 2816 : i32
    %add3A_256 = arith.addi %mul3A_2, %add3A_255 : i32
    %dma_start3A_257 = arith.constant 0 : i32
    %dma_start3A_258 = tpu.memref_slice %arg4[%add3A_256, %dma_start3A_257] : memref<204800x128xf32, #tpu.memory_space<hbm>> -> memref<256x128xf32, #tpu.memory_space<hbm>>
    %dma_start3A_259 = arith.constant 0 : i32
    %dma_start3A_260 = tpu.memref_slice %arg4[%add3A_256, %dma_start3A_259] : memref<204800x128xf32, #tpu.memory_space<hbm>> -> memref<256x128xf32, #tpu.memory_space<hbm>>
    tpu.enqueue_dma source(%arg9 : memref<256x128xf32, #tpu.memory_space<vmem>>) target(%dma_start3A_260 : memref<256x128xf32, #tpu.memory_space<hbm>>) target_semaphore(%arg15 : memref<!tpu.dma_semaphore, #tpu.memory_space<semaphore_mem>>)
    %dma_wait3A_261 = arith.constant 0 : i32
    %dma_wait3A_262 = tpu.memref_slice %arg4[%add3A_256, %dma_wait3A_261] : memref<204800x128xf32, #tpu.memory_space<hbm>> -> memref<256x128xf32, #tpu.memory_space<hbm>>
    %dma_wait3A_263 = arith.constant 0 : i32
    %dma_wait3A_264 = tpu.memref_slice %arg4[%add3A_256, %dma_wait3A_263] : memref<204800x128xf32, #tpu.memory_space<hbm>> -> memref<256x128xf32, #tpu.memory_space<hbm>>
    tpu.wait_dma2 semaphore(%arg15 : memref<!tpu.dma_semaphore, #tpu.memory_space<semaphore_mem>>) src(%arg9 : memref<256x128xf32, #tpu.memory_space<vmem>>) dst(%dma_wait3A_264 : memref<256x128xf32, #tpu.memory_space<hbm>>)
    %dma_start3A_265 = arith.constant 3584 : i32
    %dma_start3A_266 = tpu.memref_slice %arg5[%dma_start3A_265] : memref<6400xi32, #tpu.memory_space<vmem>> -> memref<256xi32, #tpu.memory_space<vmem>>
    %dma_start3A_267 = arith.constant 0 : i32
    %dma_start3A_268 = arith.constant 0 : i32
    %dma_start3A_269 = tpu.memref_slice %arg2[%dma_start3A_267, %dma_start3A_268] : memref<100000x128xf32, #tpu.memory_space<hbm>> -> memref<100000x128xf32, #tpu.memory_space<hbm>>
    tpu.enqueue_indirect_dma source(%dma_start3A_269 : memref<100000x128xf32, #tpu.memory_space<hbm>>) target(%arg9 : memref<256x128xf32, #tpu.memory_space<vmem>>) offsets(%dma_start3A_266 : memref<256xi32, #tpu.memory_space<vmem>>) semaphore(%arg12 : memref<!tpu.dma_semaphore, #tpu.memory_space<semaphore_mem>>)
    %dma_wait3A_270 = arith.constant 3072 : i32
    %dma_wait3A_271 = tpu.memref_slice %arg5[%dma_wait3A_270] : memref<6400xi32, #tpu.memory_space<vmem>> -> memref<256xi32, #tpu.memory_space<vmem>>
    %dma_wait3A_272 = arith.constant 0 : i32
    %dma_wait3A_273 = arith.constant 0 : i32
    %dma_wait3A_274 = tpu.memref_slice %arg2[%dma_wait3A_272, %dma_wait3A_273] : memref<100000x128xf32, #tpu.memory_space<hbm>> -> memref<100000x128xf32, #tpu.memory_space<hbm>>
    tpu.wait_indirect_dma semaphore(%arg10 : memref<!tpu.dma_semaphore, #tpu.memory_space<semaphore_mem>>) src(%dma_wait3A_274 : memref<100000x128xf32, #tpu.memory_space<hbm>>) dst(%arg7 : memref<256x128xf32, #tpu.memory_space<vmem>>)
    %add3A_275 = arith.constant 3072 : i32
    %add3A_276 = arith.addi %mul3A_2, %add3A_275 : i32
    %dma_start3A_277 = arith.constant 0 : i32
    %dma_start3A_278 = tpu.memref_slice %arg4[%add3A_276, %dma_start3A_277] : memref<204800x128xf32, #tpu.memory_space<hbm>> -> memref<256x128xf32, #tpu.memory_space<hbm>>
    %dma_start3A_279 = arith.constant 0 : i32
    %dma_start3A_280 = tpu.memref_slice %arg4[%add3A_276, %dma_start3A_279] : memref<204800x128xf32, #tpu.memory_space<hbm>> -> memref<256x128xf32, #tpu.memory_space<hbm>>
    tpu.enqueue_dma source(%arg7 : memref<256x128xf32, #tpu.memory_space<vmem>>) target(%dma_start3A_280 : memref<256x128xf32, #tpu.memory_space<hbm>>) target_semaphore(%arg13 : memref<!tpu.dma_semaphore, #tpu.memory_space<semaphore_mem>>)
    %dma_wait3A_281 = arith.constant 0 : i32
    %dma_wait3A_282 = tpu.memref_slice %arg4[%add3A_276, %dma_wait3A_281] : memref<204800x128xf32, #tpu.memory_space<hbm>> -> memref<256x128xf32, #tpu.memory_space<hbm>>
    %dma_wait3A_283 = arith.constant 0 : i32
    %dma_wait3A_284 = tpu.memref_slice %arg4[%add3A_276, %dma_wait3A_283] : memref<204800x128xf32, #tpu.memory_space<hbm>> -> memref<256x128xf32, #tpu.memory_space<hbm>>
    tpu.wait_dma2 semaphore(%arg13 : memref<!tpu.dma_semaphore, #tpu.memory_space<semaphore_mem>>) src(%arg7 : memref<256x128xf32, #tpu.memory_space<vmem>>) dst(%dma_wait3A_284 : memref<256x128xf32, #tpu.memory_space<hbm>>)
    %dma_start3A_285 = arith.constant 3840 : i32
    %dma_start3A_286 = tpu.memref_slice %arg5[%dma_start3A_285] : memref<6400xi32, #tpu.memory_space<vmem>> -> memref<256xi32, #tpu.memory_space<vmem>>
    %dma_start3A_287 = arith.constant 0 : i32
    %dma_start3A_288 = arith.constant 0 : i32
    %dma_start3A_289 = tpu.memref_slice %arg2[%dma_start3A_287, %dma_start3A_288] : memref<100000x128xf32, #tpu.memory_space<hbm>> -> memref<100000x128xf32, #tpu.memory_space<hbm>>
    tpu.enqueue_indirect_dma source(%dma_start3A_289 : memref<100000x128xf32, #tpu.memory_space<hbm>>) target(%arg7 : memref<256x128xf32, #tpu.memory_space<vmem>>) offsets(%dma_start3A_286 : memref<256xi32, #tpu.memory_space<vmem>>) semaphore(%arg10 : memref<!tpu.dma_semaphore, #tpu.memory_space<semaphore_mem>>)
    %dma_wait3A_290 = arith.constant 3328 : i32
    %dma_wait3A_291 = tpu.memref_slice %arg5[%dma_wait3A_290] : memref<6400xi32, #tpu.memory_space<vmem>> -> memref<256xi32, #tpu.memory_space<vmem>>
    %dma_wait3A_292 = arith.constant 0 : i32
    %dma_wait3A_293 = arith.constant 0 : i32
    %dma_wait3A_294 = tpu.memref_slice %arg2[%dma_wait3A_292, %dma_wait3A_293] : memref<100000x128xf32, #tpu.memory_space<hbm>> -> memref<100000x128xf32, #tpu.memory_space<hbm>>
    tpu.wait_indirect_dma semaphore(%arg11 : memref<!tpu.dma_semaphore, #tpu.memory_space<semaphore_mem>>) src(%dma_wait3A_294 : memref<100000x128xf32, #tpu.memory_space<hbm>>) dst(%arg8 : memref<256x128xf32, #tpu.memory_space<vmem>>)
    %add3A_295 = arith.constant 3328 : i32
    %add3A_296 = arith.addi %mul3A_2, %add3A_295 : i32
    %dma_start3A_297 = arith.constant 0 : i32
    %dma_start3A_298 = tpu.memref_slice %arg4[%add3A_296, %dma_start3A_297] : memref<204800x128xf32, #tpu.memory_space<hbm>> -> memref<256x128xf32, #tpu.memory_space<hbm>>
    %dma_start3A_299 = arith.constant 0 : i32
    %dma_start3A_300 = tpu.memref_slice %arg4[%add3A_296, %dma_start3A_299] : memref<204800x128xf32, #tpu.memory_space<hbm>> -> memref<256x128xf32, #tpu.memory_space<hbm>>
    tpu.enqueue_dma source(%arg8 : memref<256x128xf32, #tpu.memory_space<vmem>>) target(%dma_start3A_300 : memref<256x128xf32, #tpu.memory_space<hbm>>) target_semaphore(%arg14 : memref<!tpu.dma_semaphore, #tpu.memory_space<semaphore_mem>>)
    %dma_wait3A_301 = arith.constant 0 : i32
    %dma_wait3A_302 = tpu.memref_slice %arg4[%add3A_296, %dma_wait3A_301] : memref<204800x128xf32, #tpu.memory_space<hbm>> -> memref<256x128xf32, #tpu.memory_space<hbm>>
    %dma_wait3A_303 = arith.constant 0 : i32
    %dma_wait3A_304 = tpu.memref_slice %arg4[%add3A_296, %dma_wait3A_303] : memref<204800x128xf32, #tpu.memory_space<hbm>> -> memref<256x128xf32, #tpu.memory_space<hbm>>
    tpu.wait_dma2 semaphore(%arg14 : memref<!tpu.dma_semaphore, #tpu.memory_space<semaphore_mem>>) src(%arg8 : memref<256x128xf32, #tpu.memory_space<vmem>>) dst(%dma_wait3A_304 : memref<256x128xf32, #tpu.memory_space<hbm>>)
    %dma_start3A_305 = arith.constant 4096 : i32
    %dma_start3A_306 = tpu.memref_slice %arg5[%dma_start3A_305] : memref<6400xi32, #tpu.memory_space<vmem>> -> memref<256xi32, #tpu.memory_space<vmem>>
    %dma_start3A_307 = arith.constant 0 : i32
    %dma_start3A_308 = arith.constant 0 : i32
    %dma_start3A_309 = tpu.memref_slice %arg2[%dma_start3A_307, %dma_start3A_308] : memref<100000x128xf32, #tpu.memory_space<hbm>> -> memref<100000x128xf32, #tpu.memory_space<hbm>>
    tpu.enqueue_indirect_dma source(%dma_start3A_309 : memref<100000x128xf32, #tpu.memory_space<hbm>>) target(%arg8 : memref<256x128xf32, #tpu.memory_space<vmem>>) offsets(%dma_start3A_306 : memref<256xi32, #tpu.memory_space<vmem>>) semaphore(%arg11 : memref<!tpu.dma_semaphore, #tpu.memory_space<semaphore_mem>>)
    %dma_wait3A_310 = arith.constant 3584 : i32
    %dma_wait3A_311 = tpu.memref_slice %arg5[%dma_wait3A_310] : memref<6400xi32, #tpu.memory_space<vmem>> -> memref<256xi32, #tpu.memory_space<vmem>>
    %dma_wait3A_312 = arith.constant 0 : i32
    %dma_wait3A_313 = arith.constant 0 : i32
    %dma_wait3A_314 = tpu.memref_slice %arg2[%dma_wait3A_312, %dma_wait3A_313] : memref<100000x128xf32, #tpu.memory_space<hbm>> -> memref<100000x128xf32, #tpu.memory_space<hbm>>
    tpu.wait_indirect_dma semaphore(%arg12 : memref<!tpu.dma_semaphore, #tpu.memory_space<semaphore_mem>>) src(%dma_wait3A_314 : memref<100000x128xf32, #tpu.memory_space<hbm>>) dst(%arg9 : memref<256x128xf32, #tpu.memory_space<vmem>>)
    %add3A_315 = arith.constant 3584 : i32
    %add3A_316 = arith.addi %mul3A_2, %add3A_315 : i32
    %dma_start3A_317 = arith.constant 0 : i32
    %dma_start3A_318 = tpu.memref_slice %arg4[%add3A_316, %dma_start3A_317] : memref<204800x128xf32, #tpu.memory_space<hbm>> -> memref<256x128xf32, #tpu.memory_space<hbm>>
    %dma_start3A_319 = arith.constant 0 : i32
    %dma_start3A_320 = tpu.memref_slice %arg4[%add3A_316, %dma_start3A_319] : memref<204800x128xf32, #tpu.memory_space<hbm>> -> memref<256x128xf32, #tpu.memory_space<hbm>>
    tpu.enqueue_dma source(%arg9 : memref<256x128xf32, #tpu.memory_space<vmem>>) target(%dma_start3A_320 : memref<256x128xf32, #tpu.memory_space<hbm>>) target_semaphore(%arg15 : memref<!tpu.dma_semaphore, #tpu.memory_space<semaphore_mem>>)
    %dma_wait3A_321 = arith.constant 0 : i32
    %dma_wait3A_322 = tpu.memref_slice %arg4[%add3A_316, %dma_wait3A_321] : memref<204800x128xf32, #tpu.memory_space<hbm>> -> memref<256x128xf32, #tpu.memory_space<hbm>>
    %dma_wait3A_323 = arith.constant 0 : i32
    %dma_wait3A_324 = tpu.memref_slice %arg4[%add3A_316, %dma_wait3A_323] : memref<204800x128xf32, #tpu.memory_space<hbm>> -> memref<256x128xf32, #tpu.memory_space<hbm>>
    tpu.wait_dma2 semaphore(%arg15 : memref<!tpu.dma_semaphore, #tpu.memory_space<semaphore_mem>>) src(%arg9 : memref<256x128xf32, #tpu.memory_space<vmem>>) dst(%dma_wait3A_324 : memref<256x128xf32, #tpu.memory_space<hbm>>)
    %dma_start3A_325 = arith.constant 4352 : i32
    %dma_start3A_326 = tpu.memref_slice %arg5[%dma_start3A_325] : memref<6400xi32, #tpu.memory_space<vmem>> -> memref<256xi32, #tpu.memory_space<vmem>>
    %dma_start3A_327 = arith.constant 0 : i32
    %dma_start3A_328 = arith.constant 0 : i32
    %dma_start3A_329 = tpu.memref_slice %arg2[%dma_start3A_327, %dma_start3A_328] : memref<100000x128xf32, #tpu.memory_space<hbm>> -> memref<100000x128xf32, #tpu.memory_space<hbm>>
    tpu.enqueue_indirect_dma source(%dma_start3A_329 : memref<100000x128xf32, #tpu.memory_space<hbm>>) target(%arg9 : memref<256x128xf32, #tpu.memory_space<vmem>>) offsets(%dma_start3A_326 : memref<256xi32, #tpu.memory_space<vmem>>) semaphore(%arg12 : memref<!tpu.dma_semaphore, #tpu.memory_space<semaphore_mem>>)
    %dma_wait3A_330 = arith.constant 3840 : i32
    %dma_wait3A_331 = tpu.memref_slice %arg5[%dma_wait3A_330] : memref<6400xi32, #tpu.memory_space<vmem>> -> memref<256xi32, #tpu.memory_space<vmem>>
    %dma_wait3A_332 = arith.constant 0 : i32
    %dma_wait3A_333 = arith.constant 0 : i32
    %dma_wait3A_334 = tpu.memref_slice %arg2[%dma_wait3A_332, %dma_wait3A_333] : memref<100000x128xf32, #tpu.memory_space<hbm>> -> memref<100000x128xf32, #tpu.memory_space<hbm>>
    tpu.wait_indirect_dma semaphore(%arg10 : memref<!tpu.dma_semaphore, #tpu.memory_space<semaphore_mem>>) src(%dma_wait3A_334 : memref<100000x128xf32, #tpu.memory_space<hbm>>) dst(%arg7 : memref<256x128xf32, #tpu.memory_space<vmem>>)
    %add3A_335 = arith.constant 3840 : i32
    %add3A_336 = arith.addi %mul3A_2, %add3A_335 : i32
    %dma_start3A_337 = arith.constant 0 : i32
    %dma_start3A_338 = tpu.memref_slice %arg4[%add3A_336, %dma_start3A_337] : memref<204800x128xf32, #tpu.memory_space<hbm>> -> memref<256x128xf32, #tpu.memory_space<hbm>>
    %dma_start3A_339 = arith.constant 0 : i32
    %dma_start3A_340 = tpu.memref_slice %arg4[%add3A_336, %dma_start3A_339] : memref<204800x128xf32, #tpu.memory_space<hbm>> -> memref<256x128xf32, #tpu.memory_space<hbm>>
    tpu.enqueue_dma source(%arg7 : memref<256x128xf32, #tpu.memory_space<vmem>>) target(%dma_start3A_340 : memref<256x128xf32, #tpu.memory_space<hbm>>) target_semaphore(%arg13 : memref<!tpu.dma_semaphore, #tpu.memory_space<semaphore_mem>>)
    %dma_wait3A_341 = arith.constant 0 : i32
    %dma_wait3A_342 = tpu.memref_slice %arg4[%add3A_336, %dma_wait3A_341] : memref<204800x128xf32, #tpu.memory_space<hbm>> -> memref<256x128xf32, #tpu.memory_space<hbm>>
    %dma_wait3A_343 = arith.constant 0 : i32
    %dma_wait3A_344 = tpu.memref_slice %arg4[%add3A_336, %dma_wait3A_343] : memref<204800x128xf32, #tpu.memory_space<hbm>> -> memref<256x128xf32, #tpu.memory_space<hbm>>
    tpu.wait_dma2 semaphore(%arg13 : memref<!tpu.dma_semaphore, #tpu.memory_space<semaphore_mem>>) src(%arg7 : memref<256x128xf32, #tpu.memory_space<vmem>>) dst(%dma_wait3A_344 : memref<256x128xf32, #tpu.memory_space<hbm>>)
    %dma_start3A_345 = arith.constant 4608 : i32
    %dma_start3A_346 = tpu.memref_slice %arg5[%dma_start3A_345] : memref<6400xi32, #tpu.memory_space<vmem>> -> memref<256xi32, #tpu.memory_space<vmem>>
    %dma_start3A_347 = arith.constant 0 : i32
    %dma_start3A_348 = arith.constant 0 : i32
    %dma_start3A_349 = tpu.memref_slice %arg2[%dma_start3A_347, %dma_start3A_348] : memref<100000x128xf32, #tpu.memory_space<hbm>> -> memref<100000x128xf32, #tpu.memory_space<hbm>>
    tpu.enqueue_indirect_dma source(%dma_start3A_349 : memref<100000x128xf32, #tpu.memory_space<hbm>>) target(%arg7 : memref<256x128xf32, #tpu.memory_space<vmem>>) offsets(%dma_start3A_346 : memref<256xi32, #tpu.memory_space<vmem>>) semaphore(%arg10 : memref<!tpu.dma_semaphore, #tpu.memory_space<semaphore_mem>>)
    %dma_wait3A_350 = arith.constant 4096 : i32
    %dma_wait3A_351 = tpu.memref_slice %arg5[%dma_wait3A_350] : memref<6400xi32, #tpu.memory_space<vmem>> -> memref<256xi32, #tpu.memory_space<vmem>>
    %dma_wait3A_352 = arith.constant 0 : i32
    %dma_wait3A_353 = arith.constant 0 : i32
    %dma_wait3A_354 = tpu.memref_slice %arg2[%dma_wait3A_352, %dma_wait3A_353] : memref<100000x128xf32, #tpu.memory_space<hbm>> -> memref<100000x128xf32, #tpu.memory_space<hbm>>
    tpu.wait_indirect_dma semaphore(%arg11 : memref<!tpu.dma_semaphore, #tpu.memory_space<semaphore_mem>>) src(%dma_wait3A_354 : memref<100000x128xf32, #tpu.memory_space<hbm>>) dst(%arg8 : memref<256x128xf32, #tpu.memory_space<vmem>>)
    %add3A_355 = arith.constant 4096 : i32
    %add3A_356 = arith.addi %mul3A_2, %add3A_355 : i32
    %dma_start3A_357 = arith.constant 0 : i32
    %dma_start3A_358 = tpu.memref_slice %arg4[%add3A_356, %dma_start3A_357] : memref<204800x128xf32, #tpu.memory_space<hbm>> -> memref<256x128xf32, #tpu.memory_space<hbm>>
    %dma_start3A_359 = arith.constant 0 : i32
    %dma_start3A_360 = tpu.memref_slice %arg4[%add3A_356, %dma_start3A_359] : memref<204800x128xf32, #tpu.memory_space<hbm>> -> memref<256x128xf32, #tpu.memory_space<hbm>>
    tpu.enqueue_dma source(%arg8 : memref<256x128xf32, #tpu.memory_space<vmem>>) target(%dma_start3A_360 : memref<256x128xf32, #tpu.memory_space<hbm>>) target_semaphore(%arg14 : memref<!tpu.dma_semaphore, #tpu.memory_space<semaphore_mem>>)
    %dma_wait3A_361 = arith.constant 0 : i32
    %dma_wait3A_362 = tpu.memref_slice %arg4[%add3A_356, %dma_wait3A_361] : memref<204800x128xf32, #tpu.memory_space<hbm>> -> memref<256x128xf32, #tpu.memory_space<hbm>>
    %dma_wait3A_363 = arith.constant 0 : i32
    %dma_wait3A_364 = tpu.memref_slice %arg4[%add3A_356, %dma_wait3A_363] : memref<204800x128xf32, #tpu.memory_space<hbm>> -> memref<256x128xf32, #tpu.memory_space<hbm>>
    tpu.wait_dma2 semaphore(%arg14 : memref<!tpu.dma_semaphore, #tpu.memory_space<semaphore_mem>>) src(%arg8 : memref<256x128xf32, #tpu.memory_space<vmem>>) dst(%dma_wait3A_364 : memref<256x128xf32, #tpu.memory_space<hbm>>)
    %dma_start3A_365 = arith.constant 4864 : i32
    %dma_start3A_366 = tpu.memref_slice %arg5[%dma_start3A_365] : memref<6400xi32, #tpu.memory_space<vmem>> -> memref<256xi32, #tpu.memory_space<vmem>>
    %dma_start3A_367 = arith.constant 0 : i32
    %dma_start3A_368 = arith.constant 0 : i32
    %dma_start3A_369 = tpu.memref_slice %arg2[%dma_start3A_367, %dma_start3A_368] : memref<100000x128xf32, #tpu.memory_space<hbm>> -> memref<100000x128xf32, #tpu.memory_space<hbm>>
    tpu.enqueue_indirect_dma source(%dma_start3A_369 : memref<100000x128xf32, #tpu.memory_space<hbm>>) target(%arg8 : memref<256x128xf32, #tpu.memory_space<vmem>>) offsets(%dma_start3A_366 : memref<256xi32, #tpu.memory_space<vmem>>) semaphore(%arg11 : memref<!tpu.dma_semaphore, #tpu.memory_space<semaphore_mem>>)
    %dma_wait3A_370 = arith.constant 4352 : i32
    %dma_wait3A_371 = tpu.memref_slice %arg5[%dma_wait3A_370] : memref<6400xi32, #tpu.memory_space<vmem>> -> memref<256xi32, #tpu.memory_space<vmem>>
    %dma_wait3A_372 = arith.constant 0 : i32
    %dma_wait3A_373 = arith.constant 0 : i32
    %dma_wait3A_374 = tpu.memref_slice %arg2[%dma_wait3A_372, %dma_wait3A_373] : memref<100000x128xf32, #tpu.memory_space<hbm>> -> memref<100000x128xf32, #tpu.memory_space<hbm>>
    tpu.wait_indirect_dma semaphore(%arg12 : memref<!tpu.dma_semaphore, #tpu.memory_space<semaphore_mem>>) src(%dma_wait3A_374 : memref<100000x128xf32, #tpu.memory_space<hbm>>) dst(%arg9 : memref<256x128xf32, #tpu.memory_space<vmem>>)
    %add3A_375 = arith.constant 4352 : i32
    %add3A_376 = arith.addi %mul3A_2, %add3A_375 : i32
    %dma_start3A_377 = arith.constant 0 : i32
    %dma_start3A_378 = tpu.memref_slice %arg4[%add3A_376, %dma_start3A_377] : memref<204800x128xf32, #tpu.memory_space<hbm>> -> memref<256x128xf32, #tpu.memory_space<hbm>>
    %dma_start3A_379 = arith.constant 0 : i32
    %dma_start3A_380 = tpu.memref_slice %arg4[%add3A_376, %dma_start3A_379] : memref<204800x128xf32, #tpu.memory_space<hbm>> -> memref<256x128xf32, #tpu.memory_space<hbm>>
    tpu.enqueue_dma source(%arg9 : memref<256x128xf32, #tpu.memory_space<vmem>>) target(%dma_start3A_380 : memref<256x128xf32, #tpu.memory_space<hbm>>) target_semaphore(%arg15 : memref<!tpu.dma_semaphore, #tpu.memory_space<semaphore_mem>>)
    %dma_wait3A_381 = arith.constant 0 : i32
    %dma_wait3A_382 = tpu.memref_slice %arg4[%add3A_376, %dma_wait3A_381] : memref<204800x128xf32, #tpu.memory_space<hbm>> -> memref<256x128xf32, #tpu.memory_space<hbm>>
    %dma_wait3A_383 = arith.constant 0 : i32
    %dma_wait3A_384 = tpu.memref_slice %arg4[%add3A_376, %dma_wait3A_383] : memref<204800x128xf32, #tpu.memory_space<hbm>> -> memref<256x128xf32, #tpu.memory_space<hbm>>
    tpu.wait_dma2 semaphore(%arg15 : memref<!tpu.dma_semaphore, #tpu.memory_space<semaphore_mem>>) src(%arg9 : memref<256x128xf32, #tpu.memory_space<vmem>>) dst(%dma_wait3A_384 : memref<256x128xf32, #tpu.memory_space<hbm>>)
    %dma_start3A_385 = arith.constant 5120 : i32
    %dma_start3A_386 = tpu.memref_slice %arg5[%dma_start3A_385] : memref<6400xi32, #tpu.memory_space<vmem>> -> memref<256xi32, #tpu.memory_space<vmem>>
    %dma_start3A_387 = arith.constant 0 : i32
    %dma_start3A_388 = arith.constant 0 : i32
    %dma_start3A_389 = tpu.memref_slice %arg2[%dma_start3A_387, %dma_start3A_388] : memref<100000x128xf32, #tpu.memory_space<hbm>> -> memref<100000x128xf32, #tpu.memory_space<hbm>>
    tpu.enqueue_indirect_dma source(%dma_start3A_389 : memref<100000x128xf32, #tpu.memory_space<hbm>>) target(%arg9 : memref<256x128xf32, #tpu.memory_space<vmem>>) offsets(%dma_start3A_386 : memref<256xi32, #tpu.memory_space<vmem>>) semaphore(%arg12 : memref<!tpu.dma_semaphore, #tpu.memory_space<semaphore_mem>>)
    %dma_wait3A_390 = arith.constant 4608 : i32
    %dma_wait3A_391 = tpu.memref_slice %arg5[%dma_wait3A_390] : memref<6400xi32, #tpu.memory_space<vmem>> -> memref<256xi32, #tpu.memory_space<vmem>>
    %dma_wait3A_392 = arith.constant 0 : i32
    %dma_wait3A_393 = arith.constant 0 : i32
    %dma_wait3A_394 = tpu.memref_slice %arg2[%dma_wait3A_392, %dma_wait3A_393] : memref<100000x128xf32, #tpu.memory_space<hbm>> -> memref<100000x128xf32, #tpu.memory_space<hbm>>
    tpu.wait_indirect_dma semaphore(%arg10 : memref<!tpu.dma_semaphore, #tpu.memory_space<semaphore_mem>>) src(%dma_wait3A_394 : memref<100000x128xf32, #tpu.memory_space<hbm>>) dst(%arg7 : memref<256x128xf32, #tpu.memory_space<vmem>>)
    %add3A_395 = arith.constant 4608 : i32
    %add3A_396 = arith.addi %mul3A_2, %add3A_395 : i32
    %dma_start3A_397 = arith.constant 0 : i32
    %dma_start3A_398 = tpu.memref_slice %arg4[%add3A_396, %dma_start3A_397] : memref<204800x128xf32, #tpu.memory_space<hbm>> -> memref<256x128xf32, #tpu.memory_space<hbm>>
    %dma_start3A_399 = arith.constant 0 : i32
    %dma_start3A_400 = tpu.memref_slice %arg4[%add3A_396, %dma_start3A_399] : memref<204800x128xf32, #tpu.memory_space<hbm>> -> memref<256x128xf32, #tpu.memory_space<hbm>>
    tpu.enqueue_dma source(%arg7 : memref<256x128xf32, #tpu.memory_space<vmem>>) target(%dma_start3A_400 : memref<256x128xf32, #tpu.memory_space<hbm>>) target_semaphore(%arg13 : memref<!tpu.dma_semaphore, #tpu.memory_space<semaphore_mem>>)
    %dma_wait3A_401 = arith.constant 0 : i32
    %dma_wait3A_402 = tpu.memref_slice %arg4[%add3A_396, %dma_wait3A_401] : memref<204800x128xf32, #tpu.memory_space<hbm>> -> memref<256x128xf32, #tpu.memory_space<hbm>>
    %dma_wait3A_403 = arith.constant 0 : i32
    %dma_wait3A_404 = tpu.memref_slice %arg4[%add3A_396, %dma_wait3A_403] : memref<204800x128xf32, #tpu.memory_space<hbm>> -> memref<256x128xf32, #tpu.memory_space<hbm>>
    tpu.wait_dma2 semaphore(%arg13 : memref<!tpu.dma_semaphore, #tpu.memory_space<semaphore_mem>>) src(%arg7 : memref<256x128xf32, #tpu.memory_space<vmem>>) dst(%dma_wait3A_404 : memref<256x128xf32, #tpu.memory_space<hbm>>)
    %dma_start3A_405 = arith.constant 5376 : i32
    %dma_start3A_406 = tpu.memref_slice %arg5[%dma_start3A_405] : memref<6400xi32, #tpu.memory_space<vmem>> -> memref<256xi32, #tpu.memory_space<vmem>>
    %dma_start3A_407 = arith.constant 0 : i32
    %dma_start3A_408 = arith.constant 0 : i32
    %dma_start3A_409 = tpu.memref_slice %arg2[%dma_start3A_407, %dma_start3A_408] : memref<100000x128xf32, #tpu.memory_space<hbm>> -> memref<100000x128xf32, #tpu.memory_space<hbm>>
    tpu.enqueue_indirect_dma source(%dma_start3A_409 : memref<100000x128xf32, #tpu.memory_space<hbm>>) target(%arg7 : memref<256x128xf32, #tpu.memory_space<vmem>>) offsets(%dma_start3A_406 : memref<256xi32, #tpu.memory_space<vmem>>) semaphore(%arg10 : memref<!tpu.dma_semaphore, #tpu.memory_space<semaphore_mem>>)
    %dma_wait3A_410 = arith.constant 4864 : i32
    %dma_wait3A_411 = tpu.memref_slice %arg5[%dma_wait3A_410] : memref<6400xi32, #tpu.memory_space<vmem>> -> memref<256xi32, #tpu.memory_space<vmem>>
    %dma_wait3A_412 = arith.constant 0 : i32
    %dma_wait3A_413 = arith.constant 0 : i32
    %dma_wait3A_414 = tpu.memref_slice %arg2[%dma_wait3A_412, %dma_wait3A_413] : memref<100000x128xf32, #tpu.memory_space<hbm>> -> memref<100000x128xf32, #tpu.memory_space<hbm>>
    tpu.wait_indirect_dma semaphore(%arg11 : memref<!tpu.dma_semaphore, #tpu.memory_space<semaphore_mem>>) src(%dma_wait3A_414 : memref<100000x128xf32, #tpu.memory_space<hbm>>) dst(%arg8 : memref<256x128xf32, #tpu.memory_space<vmem>>)
    %add3A_415 = arith.constant 4864 : i32
    %add3A_416 = arith.addi %mul3A_2, %add3A_415 : i32
    %dma_start3A_417 = arith.constant 0 : i32
    %dma_start3A_418 = tpu.memref_slice %arg4[%add3A_416, %dma_start3A_417] : memref<204800x128xf32, #tpu.memory_space<hbm>> -> memref<256x128xf32, #tpu.memory_space<hbm>>
    %dma_start3A_419 = arith.constant 0 : i32
    %dma_start3A_420 = tpu.memref_slice %arg4[%add3A_416, %dma_start3A_419] : memref<204800x128xf32, #tpu.memory_space<hbm>> -> memref<256x128xf32, #tpu.memory_space<hbm>>
    tpu.enqueue_dma source(%arg8 : memref<256x128xf32, #tpu.memory_space<vmem>>) target(%dma_start3A_420 : memref<256x128xf32, #tpu.memory_space<hbm>>) target_semaphore(%arg14 : memref<!tpu.dma_semaphore, #tpu.memory_space<semaphore_mem>>)
    %dma_wait3A_421 = arith.constant 0 : i32
    %dma_wait3A_422 = tpu.memref_slice %arg4[%add3A_416, %dma_wait3A_421] : memref<204800x128xf32, #tpu.memory_space<hbm>> -> memref<256x128xf32, #tpu.memory_space<hbm>>
    %dma_wait3A_423 = arith.constant 0 : i32
    %dma_wait3A_424 = tpu.memref_slice %arg4[%add3A_416, %dma_wait3A_423] : memref<204800x128xf32, #tpu.memory_space<hbm>> -> memref<256x128xf32, #tpu.memory_space<hbm>>
    tpu.wait_dma2 semaphore(%arg14 : memref<!tpu.dma_semaphore, #tpu.memory_space<semaphore_mem>>) src(%arg8 : memref<256x128xf32, #tpu.memory_space<vmem>>) dst(%dma_wait3A_424 : memref<256x128xf32, #tpu.memory_space<hbm>>)
    %dma_start3A_425 = arith.constant 5632 : i32
    %dma_start3A_426 = tpu.memref_slice %arg5[%dma_start3A_425] : memref<6400xi32, #tpu.memory_space<vmem>> -> memref<256xi32, #tpu.memory_space<vmem>>
    %dma_start3A_427 = arith.constant 0 : i32
    %dma_start3A_428 = arith.constant 0 : i32
    %dma_start3A_429 = tpu.memref_slice %arg2[%dma_start3A_427, %dma_start3A_428] : memref<100000x128xf32, #tpu.memory_space<hbm>> -> memref<100000x128xf32, #tpu.memory_space<hbm>>
    tpu.enqueue_indirect_dma source(%dma_start3A_429 : memref<100000x128xf32, #tpu.memory_space<hbm>>) target(%arg8 : memref<256x128xf32, #tpu.memory_space<vmem>>) offsets(%dma_start3A_426 : memref<256xi32, #tpu.memory_space<vmem>>) semaphore(%arg11 : memref<!tpu.dma_semaphore, #tpu.memory_space<semaphore_mem>>)
    %dma_wait3A_430 = arith.constant 5120 : i32
    %dma_wait3A_431 = tpu.memref_slice %arg5[%dma_wait3A_430] : memref<6400xi32, #tpu.memory_space<vmem>> -> memref<256xi32, #tpu.memory_space<vmem>>
    %dma_wait3A_432 = arith.constant 0 : i32
    %dma_wait3A_433 = arith.constant 0 : i32
    %dma_wait3A_434 = tpu.memref_slice %arg2[%dma_wait3A_432, %dma_wait3A_433] : memref<100000x128xf32, #tpu.memory_space<hbm>> -> memref<100000x128xf32, #tpu.memory_space<hbm>>
    tpu.wait_indirect_dma semaphore(%arg12 : memref<!tpu.dma_semaphore, #tpu.memory_space<semaphore_mem>>) src(%dma_wait3A_434 : memref<100000x128xf32, #tpu.memory_space<hbm>>) dst(%arg9 : memref<256x128xf32, #tpu.memory_space<vmem>>)
    %add3A_435 = arith.constant 5120 : i32
    %add3A_436 = arith.addi %mul3A_2, %add3A_435 : i32
    %dma_start3A_437 = arith.constant 0 : i32
    %dma_start3A_438 = tpu.memref_slice %arg4[%add3A_436, %dma_start3A_437] : memref<204800x128xf32, #tpu.memory_space<hbm>> -> memref<256x128xf32, #tpu.memory_space<hbm>>
    %dma_start3A_439 = arith.constant 0 : i32
    %dma_start3A_440 = tpu.memref_slice %arg4[%add3A_436, %dma_start3A_439] : memref<204800x128xf32, #tpu.memory_space<hbm>> -> memref<256x128xf32, #tpu.memory_space<hbm>>
    tpu.enqueue_dma source(%arg9 : memref<256x128xf32, #tpu.memory_space<vmem>>) target(%dma_start3A_440 : memref<256x128xf32, #tpu.memory_space<hbm>>) target_semaphore(%arg15 : memref<!tpu.dma_semaphore, #tpu.memory_space<semaphore_mem>>)
    %dma_wait3A_441 = arith.constant 0 : i32
    %dma_wait3A_442 = tpu.memref_slice %arg4[%add3A_436, %dma_wait3A_441] : memref<204800x128xf32, #tpu.memory_space<hbm>> -> memref<256x128xf32, #tpu.memory_space<hbm>>
    %dma_wait3A_443 = arith.constant 0 : i32
    %dma_wait3A_444 = tpu.memref_slice %arg4[%add3A_436, %dma_wait3A_443] : memref<204800x128xf32, #tpu.memory_space<hbm>> -> memref<256x128xf32, #tpu.memory_space<hbm>>
    tpu.wait_dma2 semaphore(%arg15 : memref<!tpu.dma_semaphore, #tpu.memory_space<semaphore_mem>>) src(%arg9 : memref<256x128xf32, #tpu.memory_space<vmem>>) dst(%dma_wait3A_444 : memref<256x128xf32, #tpu.memory_space<hbm>>)
    %dma_start3A_445 = arith.constant 5888 : i32
    %dma_start3A_446 = tpu.memref_slice %arg5[%dma_start3A_445] : memref<6400xi32, #tpu.memory_space<vmem>> -> memref<256xi32, #tpu.memory_space<vmem>>
    %dma_start3A_447 = arith.constant 0 : i32
    %dma_start3A_448 = arith.constant 0 : i32
    %dma_start3A_449 = tpu.memref_slice %arg2[%dma_start3A_447, %dma_start3A_448] : memref<100000x128xf32, #tpu.memory_space<hbm>> -> memref<100000x128xf32, #tpu.memory_space<hbm>>
    tpu.enqueue_indirect_dma source(%dma_start3A_449 : memref<100000x128xf32, #tpu.memory_space<hbm>>) target(%arg9 : memref<256x128xf32, #tpu.memory_space<vmem>>) offsets(%dma_start3A_446 : memref<256xi32, #tpu.memory_space<vmem>>) semaphore(%arg12 : memref<!tpu.dma_semaphore, #tpu.memory_space<semaphore_mem>>)
    %dma_wait3A_450 = arith.constant 5376 : i32
    %dma_wait3A_451 = tpu.memref_slice %arg5[%dma_wait3A_450] : memref<6400xi32, #tpu.memory_space<vmem>> -> memref<256xi32, #tpu.memory_space<vmem>>
    %dma_wait3A_452 = arith.constant 0 : i32
    %dma_wait3A_453 = arith.constant 0 : i32
    %dma_wait3A_454 = tpu.memref_slice %arg2[%dma_wait3A_452, %dma_wait3A_453] : memref<100000x128xf32, #tpu.memory_space<hbm>> -> memref<100000x128xf32, #tpu.memory_space<hbm>>
    tpu.wait_indirect_dma semaphore(%arg10 : memref<!tpu.dma_semaphore, #tpu.memory_space<semaphore_mem>>) src(%dma_wait3A_454 : memref<100000x128xf32, #tpu.memory_space<hbm>>) dst(%arg7 : memref<256x128xf32, #tpu.memory_space<vmem>>)
    %add3A_455 = arith.constant 5376 : i32
    %add3A_456 = arith.addi %mul3A_2, %add3A_455 : i32
    %dma_start3A_457 = arith.constant 0 : i32
    %dma_start3A_458 = tpu.memref_slice %arg4[%add3A_456, %dma_start3A_457] : memref<204800x128xf32, #tpu.memory_space<hbm>> -> memref<256x128xf32, #tpu.memory_space<hbm>>
    %dma_start3A_459 = arith.constant 0 : i32
    %dma_start3A_460 = tpu.memref_slice %arg4[%add3A_456, %dma_start3A_459] : memref<204800x128xf32, #tpu.memory_space<hbm>> -> memref<256x128xf32, #tpu.memory_space<hbm>>
    tpu.enqueue_dma source(%arg7 : memref<256x128xf32, #tpu.memory_space<vmem>>) target(%dma_start3A_460 : memref<256x128xf32, #tpu.memory_space<hbm>>) target_semaphore(%arg13 : memref<!tpu.dma_semaphore, #tpu.memory_space<semaphore_mem>>)
    %dma_wait3A_461 = arith.constant 0 : i32
    %dma_wait3A_462 = tpu.memref_slice %arg4[%add3A_456, %dma_wait3A_461] : memref<204800x128xf32, #tpu.memory_space<hbm>> -> memref<256x128xf32, #tpu.memory_space<hbm>>
    %dma_wait3A_463 = arith.constant 0 : i32
    %dma_wait3A_464 = tpu.memref_slice %arg4[%add3A_456, %dma_wait3A_463] : memref<204800x128xf32, #tpu.memory_space<hbm>> -> memref<256x128xf32, #tpu.memory_space<hbm>>
    tpu.wait_dma2 semaphore(%arg13 : memref<!tpu.dma_semaphore, #tpu.memory_space<semaphore_mem>>) src(%arg7 : memref<256x128xf32, #tpu.memory_space<vmem>>) dst(%dma_wait3A_464 : memref<256x128xf32, #tpu.memory_space<hbm>>)
    %dma_start3A_465 = arith.constant 6144 : i32
    %dma_start3A_466 = tpu.memref_slice %arg5[%dma_start3A_465] : memref<6400xi32, #tpu.memory_space<vmem>> -> memref<256xi32, #tpu.memory_space<vmem>>
    %dma_start3A_467 = arith.constant 0 : i32
    %dma_start3A_468 = arith.constant 0 : i32
    %dma_start3A_469 = tpu.memref_slice %arg2[%dma_start3A_467, %dma_start3A_468] : memref<100000x128xf32, #tpu.memory_space<hbm>> -> memref<100000x128xf32, #tpu.memory_space<hbm>>
    tpu.enqueue_indirect_dma source(%dma_start3A_469 : memref<100000x128xf32, #tpu.memory_space<hbm>>) target(%arg7 : memref<256x128xf32, #tpu.memory_space<vmem>>) offsets(%dma_start3A_466 : memref<256xi32, #tpu.memory_space<vmem>>) semaphore(%arg10 : memref<!tpu.dma_semaphore, #tpu.memory_space<semaphore_mem>>)
    %dma_wait3A_470 = arith.constant 5632 : i32
    %dma_wait3A_471 = tpu.memref_slice %arg5[%dma_wait3A_470] : memref<6400xi32, #tpu.memory_space<vmem>> -> memref<256xi32, #tpu.memory_space<vmem>>
    %dma_wait3A_472 = arith.constant 0 : i32
    %dma_wait3A_473 = arith.constant 0 : i32
    %dma_wait3A_474 = tpu.memref_slice %arg2[%dma_wait3A_472, %dma_wait3A_473] : memref<100000x128xf32, #tpu.memory_space<hbm>> -> memref<100000x128xf32, #tpu.memory_space<hbm>>
    tpu.wait_indirect_dma semaphore(%arg11 : memref<!tpu.dma_semaphore, #tpu.memory_space<semaphore_mem>>) src(%dma_wait3A_474 : memref<100000x128xf32, #tpu.memory_space<hbm>>) dst(%arg8 : memref<256x128xf32, #tpu.memory_space<vmem>>)
    %add3A_475 = arith.constant 5632 : i32
    %add3A_476 = arith.addi %mul3A_2, %add3A_475 : i32
    %dma_start3A_477 = arith.constant 0 : i32
    %dma_start3A_478 = tpu.memref_slice %arg4[%add3A_476, %dma_start3A_477] : memref<204800x128xf32, #tpu.memory_space<hbm>> -> memref<256x128xf32, #tpu.memory_space<hbm>>
    %dma_start3A_479 = arith.constant 0 : i32
    %dma_start3A_480 = tpu.memref_slice %arg4[%add3A_476, %dma_start3A_479] : memref<204800x128xf32, #tpu.memory_space<hbm>> -> memref<256x128xf32, #tpu.memory_space<hbm>>
    tpu.enqueue_dma source(%arg8 : memref<256x128xf32, #tpu.memory_space<vmem>>) target(%dma_start3A_480 : memref<256x128xf32, #tpu.memory_space<hbm>>) target_semaphore(%arg14 : memref<!tpu.dma_semaphore, #tpu.memory_space<semaphore_mem>>)
    %dma_wait3A_481 = arith.constant 5888 : i32
    %dma_wait3A_482 = tpu.memref_slice %arg5[%dma_wait3A_481] : memref<6400xi32, #tpu.memory_space<vmem>> -> memref<256xi32, #tpu.memory_space<vmem>>
    %dma_wait3A_483 = arith.constant 0 : i32
    %dma_wait3A_484 = arith.constant 0 : i32
    %dma_wait3A_485 = tpu.memref_slice %arg2[%dma_wait3A_483, %dma_wait3A_484] : memref<100000x128xf32, #tpu.memory_space<hbm>> -> memref<100000x128xf32, #tpu.memory_space<hbm>>
    tpu.wait_indirect_dma semaphore(%arg12 : memref<!tpu.dma_semaphore, #tpu.memory_space<semaphore_mem>>) src(%dma_wait3A_485 : memref<100000x128xf32, #tpu.memory_space<hbm>>) dst(%arg9 : memref<256x128xf32, #tpu.memory_space<vmem>>)
    %add3A_486 = arith.constant 5888 : i32
    %add3A_487 = arith.addi %mul3A_2, %add3A_486 : i32
    %dma_start3A_488 = arith.constant 0 : i32
    %dma_start3A_489 = tpu.memref_slice %arg4[%add3A_487, %dma_start3A_488] : memref<204800x128xf32, #tpu.memory_space<hbm>> -> memref<256x128xf32, #tpu.memory_space<hbm>>
    %dma_start3A_490 = arith.constant 0 : i32
    %dma_start3A_491 = tpu.memref_slice %arg4[%add3A_487, %dma_start3A_490] : memref<204800x128xf32, #tpu.memory_space<hbm>> -> memref<256x128xf32, #tpu.memory_space<hbm>>
    tpu.enqueue_dma source(%arg9 : memref<256x128xf32, #tpu.memory_space<vmem>>) target(%dma_start3A_491 : memref<256x128xf32, #tpu.memory_space<hbm>>) target_semaphore(%arg15 : memref<!tpu.dma_semaphore, #tpu.memory_space<semaphore_mem>>)
    %dma_wait3A_492 = arith.constant 6144 : i32
    %dma_wait3A_493 = tpu.memref_slice %arg5[%dma_wait3A_492] : memref<6400xi32, #tpu.memory_space<vmem>> -> memref<256xi32, #tpu.memory_space<vmem>>
    %dma_wait3A_494 = arith.constant 0 : i32
    %dma_wait3A_495 = arith.constant 0 : i32
    %dma_wait3A_496 = tpu.memref_slice %arg2[%dma_wait3A_494, %dma_wait3A_495] : memref<100000x128xf32, #tpu.memory_space<hbm>> -> memref<100000x128xf32, #tpu.memory_space<hbm>>
    tpu.wait_indirect_dma semaphore(%arg10 : memref<!tpu.dma_semaphore, #tpu.memory_space<semaphore_mem>>) src(%dma_wait3A_496 : memref<100000x128xf32, #tpu.memory_space<hbm>>) dst(%arg7 : memref<256x128xf32, #tpu.memory_space<vmem>>)
    %add3A_497 = arith.constant 6144 : i32
    %add3A_498 = arith.addi %mul3A_2, %add3A_497 : i32
    %dma_start3A_499 = arith.constant 0 : i32
    %dma_start3A_500 = tpu.memref_slice %arg4[%add3A_498, %dma_start3A_499] : memref<204800x128xf32, #tpu.memory_space<hbm>> -> memref<256x128xf32, #tpu.memory_space<hbm>>
    %dma_start3A_501 = arith.constant 0 : i32
    %dma_start3A_502 = tpu.memref_slice %arg4[%add3A_498, %dma_start3A_501] : memref<204800x128xf32, #tpu.memory_space<hbm>> -> memref<256x128xf32, #tpu.memory_space<hbm>>
    tpu.enqueue_dma source(%arg7 : memref<256x128xf32, #tpu.memory_space<vmem>>) target(%dma_start3A_502 : memref<256x128xf32, #tpu.memory_space<hbm>>) target_semaphore(%arg13 : memref<!tpu.dma_semaphore, #tpu.memory_space<semaphore_mem>>)
    %dma_wait3A_503 = arith.constant 0 : i32
    %dma_wait3A_504 = tpu.memref_slice %arg4[%add3A_498, %dma_wait3A_503] : memref<204800x128xf32, #tpu.memory_space<hbm>> -> memref<256x128xf32, #tpu.memory_space<hbm>>
    %dma_wait3A_505 = arith.constant 0 : i32
    %dma_wait3A_506 = tpu.memref_slice %arg4[%add3A_498, %dma_wait3A_505] : memref<204800x128xf32, #tpu.memory_space<hbm>> -> memref<256x128xf32, #tpu.memory_space<hbm>>
    tpu.wait_dma2 semaphore(%arg13 : memref<!tpu.dma_semaphore, #tpu.memory_space<semaphore_mem>>) src(%arg7 : memref<256x128xf32, #tpu.memory_space<vmem>>) dst(%dma_wait3A_506 : memref<256x128xf32, #tpu.memory_space<hbm>>)
    %dma_wait3A_507 = arith.constant 0 : i32
    %dma_wait3A_508 = tpu.memref_slice %arg4[%add3A_476, %dma_wait3A_507] : memref<204800x128xf32, #tpu.memory_space<hbm>> -> memref<256x128xf32, #tpu.memory_space<hbm>>
    %dma_wait3A_509 = arith.constant 0 : i32
    %dma_wait3A_510 = tpu.memref_slice %arg4[%add3A_476, %dma_wait3A_509] : memref<204800x128xf32, #tpu.memory_space<hbm>> -> memref<256x128xf32, #tpu.memory_space<hbm>>
    tpu.wait_dma2 semaphore(%arg14 : memref<!tpu.dma_semaphore, #tpu.memory_space<semaphore_mem>>) src(%arg8 : memref<256x128xf32, #tpu.memory_space<vmem>>) dst(%dma_wait3A_510 : memref<256x128xf32, #tpu.memory_space<hbm>>)
    %dma_wait3A_511 = arith.constant 0 : i32
    %dma_wait3A_512 = tpu.memref_slice %arg4[%add3A_487, %dma_wait3A_511] : memref<204800x128xf32, #tpu.memory_space<hbm>> -> memref<256x128xf32, #tpu.memory_space<hbm>>
    %dma_wait3A_513 = arith.constant 0 : i32
    %dma_wait3A_514 = tpu.memref_slice %arg4[%add3A_487, %dma_wait3A_513] : memref<204800x128xf32, #tpu.memory_space<hbm>> -> memref<256x128xf32, #tpu.memory_space<hbm>>
    tpu.wait_dma2 semaphore(%arg15 : memref<!tpu.dma_semaphore, #tpu.memory_space<semaphore_mem>>) src(%arg9 : memref<256x128xf32, #tpu.memory_space<vmem>>) dst(%dma_wait3A_514 : memref<256x128xf32, #tpu.memory_space<hbm>>)
    return
  }
}

</mosaic_0001>

<sc_bundles>
// kernel: kernel.3.cloned.1.call-start
scs
__scs_entry_jumppad:
0x0: {  	(pc) =	sbr.rel $0x88, $3  }
0x1: {  	(tag) =	ssettag $0x0;
	lr =	simm.s32 $0x1  }
0x2: {  	[smem:$0x3F9F] =	sst lr;
	_ =	strace $0xD0000000  }
0x3: {  	_ = 	snop  }
0x4: {  	_ = 	snop  }
0x5: {  	_ = 	snop  }
0x6: {  	_ = 	snop  }
0x7: {  	_ = 	snop  }
__scs_overlays_trampoline_lowered:
0x8: {  	[smem:$0x3FAE] =	sst s0  }
0x9: {  	[smem:$0x3FAF] =	sst s1  }
0xa: {  	[smem:$0x3FB0] =	sst s2  }
0xb: {  	[smem:$0x3FB1] =	sst s3  }
0xc: {  	[smem:$0x3FB2] =	sst s4  }
0xd: {  	[smem:$0x3FB3] =	sst s5  }
0xe: {  	[smem:$0x3FB4] =	sst s6  }
0xf: {  	[smem:$0x3FB5] =	sst s7  }
0x10: {  	[smem:$0x3FB6] =	sst s8  }
0x11: {  	[smem:$0x3FB7] =	sst s9;
	s0 =	simm.s32 @!p0 $0x0  }
0x12: {  	s1 =	sld [smem:$0x3F9D];
	s0 =	simm.s32 @p0 $0x1  }
0x13: {  	[smem:$0x3FB8] =	sst s0;
	s0 =	simm.s32 @!p1 $0x0  }
0x14: {  	s2 =	sld [smem:$0x3F9C];
	s0 =	simm.s32 @p1 $0x1  }
0x15: {  	[smem:$0x3FB9] =	sst s0;
	s0 =	simm.s32 @!p2 $0x0  }
0x16: {  	s3 =	sld [smem:$0x3FDB];
	s0 =	simm.s32 @p2 $0x1  }
0x17: {  	s4 =	simm.s32 $0x1BF5;
	[smem:$0x3FBB] =	sst s0  }
0x18: {  	s0 =	sld [smem:$0x3F9E];
	_ =	swait.ge [sflag:s4], $0x0  }
0x19: {  	s7 =	sld [smem:$0x3F9F]  }
0x1a: {  	s8 =	sadd.s32 $0xFFFFE003, lr  }
0x1b: {  	s9 =	sadd.s32 $0xFFFFFEF7, lr;
	s5 =	simm.s32 $0xFFFFFFFF;
	p2 =	slt.u32 s8, $0xFFFFF086  }
0x1c: {  	p1 =	slt.u32 s9, $0xF7A;
	s5 =	simm.s32 @!p2 $0x0  }
0x1d: {  	s5 =	simm.s32 @p1 $0x1;
	p0 =	seq.s32 s7, s2  }
0x1e: {  	s7 =	smul.u32 @!p0 $0xF7A, s2;
	p2 =	seq.s32 @!p0 s5, $0x0  }
0x1f: {  	s9 =	smul.u32 $0xF7A, s1;
	s8 =	simm.s32 @!p0 $0x1BF5;
	p2 =	por !p2, p0  }
0x20: {  	[sflag:s8] =	ssyncset.s32 @!p0 $0xFFFFF086;
	s6 =	sadd.s32 @!p0 s3, s7;
	s7 =	simm.s32 @!p0 $0x108  }
0x21: {  	s3 =	sadd.s32 s3, s9;
	s6 =	sadd.s32 @!p0 $0x88, s6;
	s7 =	simm.s32 @p2 $0x1082  }
0x22: {  	[simem:s7], [sflag:s8] =	dma.local @!p0 [hbm:s6], $0xF7A  }
0x23: {  	s9 =	sor.u32 $0xD0000000, s2;
	s6 =	simm.s32 $0x108;
	_ =	swait.ge @!p0 [sflag:s8], $0x0  }
0x24: {  	s3 =	sadd.s32 $0x88, s3;
	s6 =	simm.s32 @!p1 $0x1082;
	[sflag:s4] =	ssyncset.s32 $0xFFFFF086  }
0x25: {  	[simem:s6], [sflag:s4] =	dma.local [hbm:s3], $0xF7A  }
0x26: {  	[smem:$0x3F9F] =	sst s1;
	(tag) =	ssettag s2;
	_ =	strace s9  }
0x27: {  	s1 =	sld [smem:$0x3FAF]  }
0x28: {  	s2 =	sld [smem:$0x3FB0]  }
0x29: {  	s4 =	sld [smem:$0x3FB2]  }
0x2a: {  	p0 =	seq.s32 s5, $0x0;
	s5 =	sld [smem:$0x3FB3]  }
0x2b: {  	s6 =	sld [smem:$0x3FB4]  }
0x2c: {  	s7 =	sld [smem:$0x3FB5]  }
0x2d: {  	s3 =	simm.s32 $0x108;
	s8 =	sld [smem:$0x3FB6]  }
0x2e: {  	s3 =	simm.s32 @!p0 $0x1082;
	s9 =	sld [smem:$0x3FB7]  }
0x2f: {  	lr =	sadd.s32 s0, s3;
	s0 =	sld [smem:$0x3FAE]  }
0x30: {  	s3 =	sld [smem:$0x3FB1]  }
0x31: {  	[smem:$0x3FBA] =	sst s10  }
0x32: {  	s10 =	sld [smem:$0x3FB8];
	_ =	sdelay $0x3  }
0x33: {  	p0 =	seq.s32 s10, $0x1;
	s10 =	sld [smem:$0x3FBA];
	_ =	sdelay $0x3  }
0x34: {  	[smem:$0x3FBA] =	sst s10  }
0x35: {  	s10 =	sld [smem:$0x3FB9];
	_ =	sdelay $0x3  }
0x36: {  	p1 =	seq.s32 s10, $0x1;
	s10 =	sld [smem:$0x3FBA];
	_ =	sdelay $0x3  }
0x37: {  	[smem:$0x3FBA] =	sst s10  }
0x38: {  	s10 =	sld [smem:$0x3FBB]  }
0x39: {  	_ = 	snop;
	(pc) =	sbr.ind lr, $3  }
0x3a: {  	_ = 	snop  }
0x3b: {  	_ = 	snop  }
0x3c: {  	p2 =	seq.s32 s10, $0x1;
	s10 =	sld [smem:$0x3FBA]  }
0x3d: {  	_ =	shalt  }
0x3e: {  	_ =	shalt  }
0x3f: {  	_ =	shalt  }
0x40: {  	_ =	shalt  }
0x41: {  	_ =	shalt  }
0x42: {  	_ =	shalt  }
0x43: {  	_ =	shalt  }
0x44: {  	_ =	shalt  }
0x45: {  	_ =	shalt  }
0x46: {  	_ =	shalt  }
0x47: {  	_ =	shalt  }
0x48: {  	_ =	shalt  }
0x49: {  	_ =	shalt  }
0x4a: {  	_ =	shalt  }
0x4b: {  	_ =	shalt  }
0x4c: {  	_ =	shalt  }
0x4d: {  	_ =	shalt  }
0x4e: {  	_ =	shalt  }
0x4f: {  	_ =	shalt  }
0x50: {  	_ =	shalt  }
0x51: {  	_ =	shalt  }
0x52: {  	_ =	shalt  }
0x53: {  	_ =	shalt  }
0x54: {  	_ =	shalt  }
0x55: {  	_ =	shalt  }
0x56: {  	_ =	shalt  }
0x57: {  	_ =	shalt  }
0x58: {  	_ =	shalt  }
0x59: {  	_ =	shalt  }
0x5a: {  	_ =	shalt  }
0x5b: {  	_ =	shalt  }
0x5c: {  	_ =	shalt  }
0x5d: {  	_ =	shalt  }
0x5e: {  	_ =	shalt  }
0x5f: {  	_ =	shalt  }
0x60: {  	_ =	shalt  }
0x61: {  	_ =	shalt  }
0x62: {  	_ =	shalt  }
0x63: {  	_ =	shalt  }
0x64: {  	_ =	shalt  }
0x65: {  	_ =	shalt  }
0x66: {  	_ =	shalt  }
0x67: {  	_ =	shalt  }
0x68: {  	_ =	shalt  }
0x69: {  	_ =	shalt  }
0x6a: {  	_ =	shalt  }
0x6b: {  	_ =	shalt  }
0x6c: {  	_ =	shalt  }
0x6d: {  	_ =	shalt  }
0x6e: {  	_ =	shalt  }
0x6f: {  	_ =	shalt  }
0x70: {  	_ =	shalt  }
0x71: {  	_ =	shalt  }
0x72: {  	_ =	shalt  }
0x73: {  	_ =	shalt  }
0x74: {  	_ =	shalt  }
0x75: {  	_ =	shalt  }
0x76: {  	_ =	shalt  }
0x77: {  	_ =	shalt  }
0x78: {  	_ =	shalt  }
0x79: {  	_ =	shalt  }
0x7a: {  	_ =	shalt  }
0x7b: {  	_ =	shalt  }
0x7c: {  	_ =	shalt  }
0x7d: {  	_ =	shalt  }
0x7e: {  	_ =	shalt  }
0x7f: {  	_ =	shalt  }
0x80: {  	_ =	shalt  }
0x81: {  	_ =	shalt  }
0x82: {  	_ =	shalt  }
0x83: {  	_ =	shalt  }
0x84: {  	_ =	shalt  }
0x85: {  	_ =	shalt  }
0x86: {  	_ =	shalt  }
0x87: {  	_ =	shalt  }
.Lfunc_end0:
.L_simem_size_0:
called_computation_lowered:
.L_overlay_start_0:
0x88: {  	s2 =	sld [smem:$0x3FD9]  }
0x89: {  	s3 =	sld [smem:$0x3FFE];
	_ =	sdelay $0x1  }
0x8a: {  	s1 =	srdreg.scid  }
0x8b: {  	s0 =	sand.u32 $0x1, s1  }
0x8c: {  	s17 =	sshll.u32 s0, $0xA;
	s2 =	sadd.s32 s3, s2  }
0x8d: {  	s2 =	sadd.s32 s2, s17  }
0x8e: {  	[smem:$0x3FC6] =	sst s2  }
0x8f: {  	_ = 	snop  }
0x90: {  	s2 =	sld [smem:$0x3FC8]  }
0x91: {  	s18 =	sld [smem:$0x3FD0];
	(tm) =	ssettm $0x1  }
0x92: {  	s4 =	sld [smem:$0x3FFB];
	_ =	sdelay $0x3  }
0x93: {  	_ =	strace s4  }
0x94: {  	s4 =	sld [smem:$0x3FFC];
	_ =	sdelay $0x3  }
0x95: {  	_ =	strace s4  }
0x96: {  	s4 =	sld [smem:$0x3FFD];
	_ =	sdelay $0x3  }
0x97: {  	_ =	strace s4  }
0x98: {  	_ =	strace $0x8FFFFFFF  }
0x99: {  	s19 =	sld [smem:$0x3FDB];
	_ =	sdelay $0x1  }
0x9a: {  	s5 =	simm.s32 $_scs_section_size  }
0x9b: {  	s6 =	simm.s32 $_size__tile_overlayer_lowered;
	s7 =	simm.s32 $_tile_overlayer_lowered  }
0x9c: {  	s22 =	simm.s32 $0x1BFF;
	s21 =	sshll.u32 s7, $0x1;
	s4 =	sadd.s32 s5, s19  }
0x9d: {  	s8 =	simm.s32 $0x0;
	s20 =	sshll.u32 s6, $0x1;
	s6 =	sadd.s32 s21, s4  }
0x9e: {  	[timem:s8], [sflag:s22] =	dma.local [hbm:s6], s20  }
0x9f: {  	_ =	swait.ge [sflag:s22], s20  }
0xa0: {  	s5 =	ssub.s32 $0x0, s20;
	[sflag:s22] =	ssyncset.done $0x0  }
0xa1: {  	[sflag:s22] =	ssyncadd.s32 s5;
	_ =	sdelay $0x1  }
0xa2: {  	s23 =	simm.s32 $0x1B8B  }
0xa3: {  	_ =	swait.ge [sflag:s23], $0x1  }
0xa4: {  	[sflag:s23] =	ssyncset.done $0x0  }
0xa5: {  	s25 =	simm.s32 $0x1B8E;
	s24 =	sld [smem:$0x3FFE];
	[sflag:s23] =	ssyncadd.s32 $0xFFFFFFFF  }
0xa6: {  	s26 =	simm.s32 $execute0_lowered;
	[smem:$0x3FD2] =	sst s25  }
0xa7: {  	s6 =	sshll.u32 s26, $0x1;
	_ =	strace $0x80000046;
	[dreg:$0x1] =	wrdreg $0xFFFFFFFF  }
0xa8: {  	s28 =	simm.s32 $_size_execute0_lowered;
	s4 =	sadd.s32 s4, s6;
	[dreg:$0x0] =	wrdreg $0x0  }
0xa9: {  	s6 =	sshll.u32 s28, $0x1;
	[dreg:$0x2] =	wrdreg s4  }
0xaa: {  	[dreg:$0x3] =	wrdreg s6  }
0xab: {  	[dreg:$0x4] =	wrdreg $0xC0  }
0xac: {  	_ =	task [dreg:s8], $0x5FFFF  }
0xad: {  	[dreg:$0x1] =	wrdreg $0xFFFFFFFF  }
0xae: {  	[dreg:$0x0] =	wrdreg $0x60  }
0xaf: {  	[dreg:$0x2] =	wrdreg s2  }
0xb0: {  	[dreg:$0x3] =	wrdreg s24  }
0xb1: {  	[dreg:$0x4] =	wrdreg s18  }
0xb2: {  	[dreg:$0x5] =	wrdreg $0x9  }
0xb3: {  	_ =	task.clear_ibuf [dreg:s8], $0x6FFFF;
	_ =	strace $0x90000046  }
0xb4: {  	s29 =	simm.s32 $0x9;
	_ =	strace $0x80000048  }
0xb5: {  	_ =	swait.ge [sflag:s29], $0x1  }
0xb6: {  	[sflag:s29] =	ssyncadd.s32 $0xFFFFFFFF  }
0xb7: {  	_ =	strace $0x90000048  }
0xb8: {  	_ =	sfence  }
0xb9: {  	s30 =	sld [smem:$0x0];
	_ =	sdelay $0x2  }
0xba: {  	s31 =	sshll.u32 s1, $0xD;
	s1 =	sshrl.u32 s1, $0x2  }
0xbb: {  	s3 =	sand.u32 $0x4000, s31;
	s1 =	sadd.s32 s1, s30  }
0xbc: {  	s0 =	sor.u32 s3, s0;
	s1 =	sshll.u32 s1, $0x11  }
0xbd: {  	s0 =	sor.u32 s1, s0  }
0xbe: {  	s0 =	sadd.s32 $0x8F2B, s0  }
0xbf: {  	[sflag:s0] =	ssyncadd.remote.s32 $0x1  }
0xc0: {  	_ =	sfence.sel $0xFFFF  }
0xc1: {  	[dreg:$0x0] =	wrdreg $0xFFFFFFFF;
	(pc) =	sbr.abs _section_cstart, $3  }
0xc2: {  	[dreg:$0x1] =	wrdreg $0xFFFFFFFF  }
0xc3: {  	_ =	task.clear_ibuf [dreg:s8], $0x2FFFF;
	_ =	strace $0x9FFFFFFF  }
0xc4: {  	(tm) =	ssettm $0x7FFFFFFF  }
0xc5: {  	_ =	shalt  }
tec
execute0_lowered:
.L_overlay_start_1:
0x0: {  	(tag) =	ssettag $0x1  }
0x1: {  	s1 =	srdreg.scid;
	s2 =	stileid.u32  }
0x2: {  	s3 =	rddreg [dreg:$0x0];
	s1 =	sand.u32 $0x1, s1;
	s5 =	sshll.u32 s2, $0x1  }
0x3: {  	s0 =	rddreg [dreg:$0x1];
	s5 =	sor.u32 s1, s5  }
0x4: {  	s4 =	rddreg [dreg:$0x2];
	s2 =	simm.s32 $0x0;
	s6 =	smul.u32 $0x1900, s5  }
0x5: {  	[smem:$0x7FF] =	sst s2;
	s9 =	smul.u32 $0x19000, s5  }
0x6: {  	s0 =	sadd.s32 $0x400, s0;
	_ =	strace $0x80000047;
	s5 =	smul.u32 $0xC8000, s5  }
0x7: {  	s7 =	sshrl.u32 s6, $0x3;
	s6 =	sadd.s32 $0x100, s6;
	s14 =	sadd.s32 s4, s9  }
0x8: {  	s7 =	sadd.s32 s0, s7;
	s8 =	sshrl.u32 s6, $0x3;
	[dreg:$0x6] =	wrdreg s14  }
0x9: {  	s6 =	sshll.u32 s6, $0x4;
	[dreg:$0x4] =	wrdreg s7;
	s0 =	sadd.s32 s0, s8  }
0xa: {  	s5 =	sshrl.u32 s5, $0x3;
	s15 =	sadd.s32 s4, s6;
	[dreg:$0x5] =	wrdreg s0  }
0xb: {  	s4 =	sadd.s32 s4, s5;
	[dreg:$0x7] =	wrdreg s15  }
0xc: {  	s16 =	sadd.s32 $0x2000, s4;
	s0 =	rddreg [dreg:$0x4]  }
0xd: {  	s17 =	sadd.s32 $0x3000, s4;
	[dreg:$0x8] =	wrdreg s16  }
0xe: {  	s18 =	sadd.s32 $0x4000, s4;
	[dreg:$0x9] =	wrdreg s17  }
0xf: {  	s19 =	sadd.s32 $0x5000, s4;
	[dreg:$0xa] =	wrdreg s18  }
0x10: {  	s20 =	sadd.s32 $0x6000, s4;
	[dreg:$0xb] =	wrdreg s19  }
0x11: {  	s21 =	sadd.s32 $0x7000, s4;
	[dreg:$0xc] =	wrdreg s20  }
0x12: {  	s22 =	sadd.s32 $0x8000, s4;
	[dreg:$0xd] =	wrdreg s21  }
0x13: {  	s23 =	sadd.s32 $0x9000, s4;
	[dreg:$0xe] =	wrdreg s22  }
0x14: {  	s24 =	sadd.s32 $0xA000, s4;
	[dreg:$0xf] =	wrdreg s23  }
0x15: {  	s25 =	sadd.s32 $0xB000, s4;
	[dreg:$0x10] =	wrdreg s24  }
0x16: {  	s26 =	sadd.s32 $0xC000, s4;
	[dreg:$0x11] =	wrdreg s25  }
0x17: {  	s5 =	sadd.s32 $0xD000, s4;
	[dreg:$0x12] =	wrdreg s26  }
0x18: {  	s6 =	sadd.s32 $0xE000, s4;
	[dreg:$0x13] =	wrdreg s5  }
0x19: {  	s7 =	sadd.s32 $0xF000, s4;
	[dreg:$0x14] =	wrdreg s6  }
0x1a: {  	s8 =	sadd.s32 $0x10000, s4;
	[dreg:$0x15] =	wrdreg s7  }
0x1b: {  	s9 =	sadd.s32 $0x11000, s4;
	[dreg:$0x16] =	wrdreg s8  }
0x1c: {  	s31 =	simm.s32 $0x8;
	s10 =	sadd.s32 $0x12000, s4;
	[dreg:$0x17] =	wrdreg s9  }
0x1d: {  	s30 =	simm.s32 $0x1;
	s11 =	sadd.s32 $0x13000, s4;
	[dreg:$0x18] =	wrdreg s10  }
0x1e: {  	s29 =	simm.s32 $0xA00;
	s12 =	sadd.s32 $0x14000, s4;
	[dreg:$0x19] =	wrdreg s11  }
0x1f: {  	s28 =	simm.s32 $0xB00;
	s13 =	sadd.s32 $0x15000, s4;
	[dreg:$0x1a] =	wrdreg s12  }
0x20: {  	p0 =	por $0x0, $0x0;
	s14 =	sadd.s32 $0x16000, s4;
	[dreg:$0x1b] =	wrdreg s13  }
0x21: {  	s1 =	ssub.s32 $0x2, s1;
	s15 =	sadd.s32 $0x17000, s4;
	[dreg:$0x1c] =	wrdreg s14  }
0x22: {  	s16 =	sshrl.u32 s1, $0x1;
	[dreg:$0x1d] =	wrdreg s15;
	s17 =	sadd.s32 $0x18000, s4  }
0x23: {  	s10 =	simm.s32 $0x100;
	s4 =	simm.s32 $0x1900;
	s19 =	simm.s32 $0x200  }
0x24: {  	s9 =	simm.s32 $0x9900;
	s20 =	simm.s32 $0x300;
	s7 =	simm.s32 $0x11900  }
0x25: {  	s21 =	simm.s32 $0x400;
	s6 =	simm.s32 $0x2;
	[dreg:$0x1e] =	wrdreg s17  }
0x26: {  	s22 =	simm.s32 $0x500;
	s5 =	simm.s32 $0x5;
	[dreg:$0x1f] =	wrdreg s19  }
0x27: {  	s23 =	simm.s32 $0x600;
	s12 =	simm.s32 $0x3;
	[smem:$0x7F7] =	sst s20  }
0x28: {  	s24 =	simm.s32 $0x700;
	s8 =	simm.s32 $0x6;
	[smem:$0x7F8] =	sst s21  }
0x29: {  	s25 =	simm.s32 $0x800;
	s13 =	simm.s32 $0x4;
	[smem:$0x7F9] =	sst s22  }
0x2a: {  	s26 =	simm.s32 $0x900;
	s1 =	ssub.s32 s1, s16;
	[smem:$0x7FA] =	sst s23  }
0x2b: {  	s11 =	simm.s32 $0x7;
	[smem:$0x7FB] =	sst s24;
	s18 =	smax.u32 s1, $0x1  }
0x2c: {  	s15 =	simm.s32 $0x1700;
	[smem:$0x7FC] =	sst s25;
	p1 =	sne.s32 s18, $0x1  }
.Ltmp0:
0x2d: {  	s14 =	simm.s32 $0x1800;
	[smem:$0x7FD] =	sst s26;
	(pc) =	sbr.rel @!p1 .LBB2_3-.Ltmp0, $4  }
0x2e: {  	s26 =	simm.s32 $0xC00;
	s25 =	simm.s32 $0xD00;
	s24 =	simm.s32 $0xE00  }
0x2f: {  	s23 =	simm.s32 $0xF00;
	s22 =	simm.s32 $0x1000;
	s21 =	simm.s32 $0x1100  }
0x30: {  	s20 =	simm.s32 $0x1200;
	s19 =	simm.s32 $0x1300;
	s17 =	simm.s32 $0x1500  }
0x31: {  	s16 =	simm.s32 $0x1600;
	s1 =	sadd.s32 $0xFFFFFFFF, s18;
	s18 =	simm.s32 $0x1400  }
0x32: {  	[tilespmem:s2], [sflag:$0x8] =	stream.linear.gather [hbm4b:s0+s2], $0x100, $0x38;
	[tilespmem:$0x19900] =	vst v63  }
0x33: {  	_ =	swait.ge [sflag:s31], $0x100  }
0x34: {  	[sflag:s31] =	ssyncset.done $0x0  }
0x35: {  	s0 =	rddreg [dreg:$0x5];
	[sflag:s31] =	ssyncadd.s32 $0xFFFFFF00  }
0x36: {  	[tilespmem:s10], [sflag:$0x1] =	stream.linear.gather [hbm4b:s0+s2], $0x1800, $0x38;
	[tilespmem:$0x19900] =	vst v63  }
0x37: {  	_ = 	snop  }
0x38: {  	[tilespmem:s4], [sflag:$0x2] =	stream.indirect.gather [hbm4b:s3+s10], $0x80, s2, s10, $0xb8;
	[tilespmem:$0x19900] =	vst v63  }
0x39: {  	_ =	swait.ge [sflag:s30], $0x1800  }
0x3a: {  	[sflag:s30] =	ssyncset.done $0x0  }
0x3b: {  	[sflag:s30] =	ssyncadd.s32 $0xFFFFE800  }
0x3c: {  	[tilespmem:s9], [sflag:$0x3] =	stream.indirect.gather [hbm4b:s3+s10], $0x80, s10, s10, $0xb8;
	[tilespmem:$0x19900] =	vst v63  }
0x3d: {  	s0 =	rddreg [dreg:$0x1f]  }
0x3e: {  	[tilespmem:s7], [sflag:$0x4] =	stream.indirect.gather [hbm4b:s3+s10], $0x80, s0, s10, $0xb8;
	[tilespmem:$0x19900] =	vst v63  }
0x3f: {  	_ =	swait.ge [sflag:s6], $0x8000  }
0x40: {  	[sflag:s6] =	ssyncset.done $0x0  }
0x41: {  	s0 =	rddreg [dreg:$0x6];
	[sflag:s6] =	ssyncadd.s32 $0xFFFF8000  }
0x42: {  	[hbm4b:s0+s2] =	stream.linear.scatter [tilespmem:s4], [sflag:$0x5], $0x8000, $0x38;
	[tilespmem:$0x19900] =	vst v63  }
0x43: {  	_ =	swait.ge [sflag:s5], $0x8000  }
0x44: {  	s0 =	sld [smem:$0x7F7]  }
0x45: {  	[sflag:s5] =	ssyncset.done $0x0  }
0x46: {  	[sflag:s5] =	ssyncadd.s32 $0xFFFF8000  }
0x47: {  	[tilespmem:s4], [sflag:$0x2] =	stream.indirect.gather [hbm4b:s3+s10], $0x80, s0, s10, $0xb8;
	[tilespmem:$0x19900] =	vst v63  }
0x48: {  	_ =	swait.ge [sflag:s12], $0x8000  }
0x49: {  	[sflag:s12] =	ssyncset.done $0x0  }
0x4a: {  	s0 =	rddreg [dreg:$0x7];
	[sflag:s12] =	ssyncadd.s32 $0xFFFF8000  }
0x4b: {  	[hbm4b:s0+s2] =	stream.linear.scatter [tilespmem:s9], [sflag:$0x6], $0x8000, $0x38;
	[tilespmem:$0x19900] =	vst v63  }
0x4c: {  	_ =	swait.ge [sflag:s8], $0x8000  }
0x4d: {  	s0 =	sld [smem:$0x7F8]  }
0x4e: {  	[sflag:s8] =	ssyncset.done $0x0  }
0x4f: {  	[sflag:s8] =	ssyncadd.s32 $0xFFFF8000  }
0x50: {  	[tilespmem:s9], [sflag:$0x3] =	stream.indirect.gather [hbm4b:s3+s10], $0x80, s0, s10, $0xb8;
	[tilespmem:$0x19900] =	vst v63  }
0x51: {  	_ =	swait.ge [sflag:s13], $0x8000  }
0x52: {  	[sflag:s13] =	ssyncset.done $0x0  }
0x53: {  	s0 =	rddreg [dreg:$0x8];
	[sflag:s13] =	ssyncadd.s32 $0xFFFF8000  }
0x54: {  	[hbm4b:s0+s2] =	stream.linear.scatter [tilespmem:s7], [sflag:$0x7], $0x8000, $0x38;
	[tilespmem:$0x19900] =	vst v63  }
0x55: {  	_ =	swait.ge [sflag:s11], $0x8000  }
0x56: {  	s0 =	sld [smem:$0x7F9]  }
0x57: {  	[sflag:s11] =	ssyncset.done $0x0  }
0x58: {  	[sflag:s11] =	ssyncadd.s32 $0xFFFF8000  }
0x59: {  	[tilespmem:s7], [sflag:$0x4] =	stream.indirect.gather [hbm4b:s3+s10], $0x80, s0, s10, $0xb8;
	[tilespmem:$0x19900] =	vst v63  }
0x5a: {  	_ =	swait.ge [sflag:s6], $0x8000  }
0x5b: {  	[sflag:s6] =	ssyncset.done $0x0  }
0x5c: {  	s0 =	rddreg [dreg:$0x9];
	[sflag:s6] =	ssyncadd.s32 $0xFFFF8000  }
0x5d: {  	[hbm4b:s0+s2] =	stream.linear.scatter [tilespmem:s4], [sflag:$0x5], $0x8000, $0x38;
	[tilespmem:$0x19900] =	vst v63  }
0x5e: {  	_ =	swait.ge [sflag:s5], $0x8000  }
0x5f: {  	s0 =	sld [smem:$0x7FA]  }
0x60: {  	[sflag:s5] =	ssyncset.done $0x0  }
0x61: {  	[sflag:s5] =	ssyncadd.s32 $0xFFFF8000  }
0x62: {  	[tilespmem:s4], [sflag:$0x2] =	stream.indirect.gather [hbm4b:s3+s10], $0x80, s0, s10, $0xb8;
	[tilespmem:$0x19900] =	vst v63  }
0x63: {  	_ =	swait.ge [sflag:s12], $0x8000  }
0x64: {  	[sflag:s12] =	ssyncset.done $0x0  }
0x65: {  	s0 =	rddreg [dreg:$0xa];
	[sflag:s12] =	ssyncadd.s32 $0xFFFF8000  }
0x66: {  	[hbm4b:s0+s2] =	stream.linear.scatter [tilespmem:s9], [sflag:$0x6], $0x8000, $0x38;
	[tilespmem:$0x19900] =	vst v63  }
0x67: {  	_ =	swait.ge [sflag:s8], $0x8000  }
0x68: {  	s0 =	sld [smem:$0x7FB]  }
0x69: {  	[sflag:s8] =	ssyncset.done $0x0  }
0x6a: {  	[sflag:s8] =	ssyncadd.s32 $0xFFFF8000  }
0x6b: {  	[tilespmem:s9], [sflag:$0x3] =	stream.indirect.gather [hbm4b:s3+s10], $0x80, s0, s10, $0xb8;
	[tilespmem:$0x19900] =	vst v63  }
0x6c: {  	_ =	swait.ge [sflag:s13], $0x8000  }
0x6d: {  	[sflag:s13] =	ssyncset.done $0x0  }
0x6e: {  	s0 =	rddreg [dreg:$0xb];
	[sflag:s13] =	ssyncadd.s32 $0xFFFF8000  }
0x6f: {  	[hbm4b:s0+s2] =	stream.linear.scatter [tilespmem:s7], [sflag:$0x7], $0x8000, $0x38;
	[tilespmem:$0x19900] =	vst v63  }
0x70: {  	_ =	swait.ge [sflag:s11], $0x8000  }
0x71: {  	s0 =	sld [smem:$0x7FC]  }
0x72: {  	[sflag:s11] =	ssyncset.done $0x0  }
0x73: {  	[sflag:s11] =	ssyncadd.s32 $0xFFFF8000  }
0x74: {  	[tilespmem:s7], [sflag:$0x4] =	stream.indirect.gather [hbm4b:s3+s10], $0x80, s0, s10, $0xb8;
	[tilespmem:$0x19900] =	vst v63  }
0x75: {  	_ =	swait.ge [sflag:s6], $0x8000  }
0x76: {  	[sflag:s6] =	ssyncset.done $0x0  }
0x77: {  	s0 =	rddreg [dreg:$0xc];
	[sflag:s6] =	ssyncadd.s32 $0xFFFF8000  }
0x78: {  	[hbm4b:s0+s2] =	stream.linear.scatter [tilespmem:s4], [sflag:$0x5], $0x8000, $0x38;
	[tilespmem:$0x19900] =	vst v63  }
0x79: {  	_ =	swait.ge [sflag:s5], $0x8000  }
0x7a: {  	s0 =	sld [smem:$0x7FD]  }
0x7b: {  	[sflag:s5] =	ssyncset.done $0x0  }
0x7c: {  	[sflag:s5] =	ssyncadd.s32 $0xFFFF8000  }
0x7d: {  	[tilespmem:s4], [sflag:$0x2] =	stream.indirect.gather [hbm4b:s3+s10], $0x80, s0, s10, $0xb8;
	[tilespmem:$0x19900] =	vst v63  }
0x7e: {  	_ =	swait.ge [sflag:s12], $0x8000  }
0x7f: {  	[sflag:s12] =	ssyncset.done $0x0  }
0x80: {  	s0 =	rddreg [dreg:$0xd];
	[sflag:s12] =	ssyncadd.s32 $0xFFFF8000  }
0x81: {  	[hbm4b:s0+s2] =	stream.linear.scatter [tilespmem:s9], [sflag:$0x6], $0x8000, $0x38;
	[tilespmem:$0x19900] =	vst v63  }
0x82: {  	_ =	swait.ge [sflag:s8], $0x8000  }
0x83: {  	[sflag:s8] =	ssyncset.done $0x0  }
0x84: {  	[sflag:s8] =	ssyncadd.s32 $0xFFFF8000  }
0x85: {  	[tilespmem:s9], [sflag:$0x3] =	stream.indirect.gather [hbm4b:s3+s10], $0x80, s29, s10, $0xb8;
	[tilespmem:$0x19900] =	vst v63  }
0x86: {  	_ =	swait.ge [sflag:s13], $0x8000  }
0x87: {  	[sflag:s13] =	ssyncset.done $0x0  }
0x88: {  	s0 =	rddreg [dreg:$0xe];
	[sflag:s13] =	ssyncadd.s32 $0xFFFF8000  }
0x89: {  	[hbm4b:s0+s2] =	stream.linear.scatter [tilespmem:s7], [sflag:$0x7], $0x8000, $0x38;
	[tilespmem:$0x19900] =	vst v63  }
0x8a: {  	_ =	swait.ge [sflag:s11], $0x8000  }
0x8b: {  	[sflag:s11] =	ssyncset.done $0x0  }
0x8c: {  	[sflag:s11] =	ssyncadd.s32 $0xFFFF8000  }
0x8d: {  	[tilespmem:s7], [sflag:$0x4] =	stream.indirect.gather [hbm4b:s3+s10], $0x80, s28, s10, $0xb8;
	[tilespmem:$0x19900] =	vst v63  }
0x8e: {  	_ =	swait.ge [sflag:s6], $0x8000  }
0x8f: {  	[sflag:s6] =	ssyncset.done $0x0  }
0x90: {  	s0 =	rddreg [dreg:$0xf];
	[sflag:s6] =	ssyncadd.s32 $0xFFFF8000  }
0x91: {  	[hbm4b:s0+s2] =	stream.linear.scatter [tilespmem:s4], [sflag:$0x5], $0x8000, $0x38;
	[tilespmem:$0x19900] =	vst v63  }
0x92: {  	_ =	swait.ge [sflag:s5], $0x8000  }
0x93: {  	[sflag:s5] =	ssyncset.done $0x0  }
0x94: {  	[sflag:s5] =	ssyncadd.s32 $0xFFFF8000  }
0x95: {  	[tilespmem:s4], [sflag:$0x2] =	stream.indirect.gather [hbm4b:s3+s10], $0x80, s26, s10, $0xb8;
	[tilespmem:$0x19900] =	vst v63  }
0x96: {  	_ =	swait.ge [sflag:s12], $0x8000  }
0x97: {  	[sflag:s12] =	ssyncset.done $0x0  }
0x98: {  	s0 =	rddreg [dreg:$0x10];
	[sflag:s12] =	ssyncadd.s32 $0xFFFF8000  }
0x99: {  	[hbm4b:s0+s2] =	stream.linear.scatter [tilespmem:s9], [sflag:$0x6], $0x8000, $0x38;
	[tilespmem:$0x19900] =	vst v63  }
0x9a: {  	_ =	swait.ge [sflag:s8], $0x8000  }
0x9b: {  	[sflag:s8] =	ssyncset.done $0x0  }
0x9c: {  	[sflag:s8] =	ssyncadd.s32 $0xFFFF8000  }
0x9d: {  	[tilespmem:s9], [sflag:$0x3] =	stream.indirect.gather [hbm4b:s3+s10], $0x80, s25, s10, $0xb8;
	[tilespmem:$0x19900] =	vst v63  }
0x9e: {  	_ =	swait.ge [sflag:s13], $0x8000  }
0x9f: {  	[sflag:s13] =	ssyncset.done $0x0  }
0xa0: {  	s0 =	rddreg [dreg:$0x11];
	[sflag:s13] =	ssyncadd.s32 $0xFFFF8000  }
0xa1: {  	[hbm4b:s0+s2] =	stream.linear.scatter [tilespmem:s7], [sflag:$0x7], $0x8000, $0x38;
	[tilespmem:$0x19900] =	vst v63  }
0xa2: {  	_ =	swait.ge [sflag:s11], $0x8000  }
0xa3: {  	[sflag:s11] =	ssyncset.done $0x0  }
0xa4: {  	[sflag:s11] =	ssyncadd.s32 $0xFFFF8000  }
0xa5: {  	[tilespmem:s7], [sflag:$0x4] =	stream.indirect.gather [hbm4b:s3+s10], $0x80, s24, s10, $0xb8;
	[tilespmem:$0x19900] =	vst v63  }
0xa6: {  	_ =	swait.ge [sflag:s6], $0x8000  }
0xa7: {  	[sflag:s6] =	ssyncset.done $0x0  }
0xa8: {  	s0 =	rddreg [dreg:$0x12];
	[sflag:s6] =	ssyncadd.s32 $0xFFFF8000  }
0xa9: {  	[hbm4b:s0+s2] =	stream.linear.scatter [tilespmem:s4], [sflag:$0x5], $0x8000, $0x38;
	[tilespmem:$0x19900] =	vst v63  }
0xaa: {  	_ =	swait.ge [sflag:s5], $0x8000  }
0xab: {  	[sflag:s5] =	ssyncset.done $0x0  }
0xac: {  	[sflag:s5] =	ssyncadd.s32 $0xFFFF8000  }
0xad: {  	[tilespmem:s4], [sflag:$0x2] =	stream.indirect.gather [hbm4b:s3+s10], $0x80, s23, s10, $0xb8;
	[tilespmem:$0x19900] =	vst v63  }
0xae: {  	_ =	swait.ge [sflag:s12], $0x8000  }
0xaf: {  	[sflag:s12] =	ssyncset.done $0x0  }
0xb0: {  	s0 =	rddreg [dreg:$0x13];
	[sflag:s12] =	ssyncadd.s32 $0xFFFF8000  }
0xb1: {  	[hbm4b:s0+s2] =	stream.linear.scatter [tilespmem:s9], [sflag:$0x6], $0x8000, $0x38;
	[tilespmem:$0x19900] =	vst v63  }
0xb2: {  	_ =	swait.ge [sflag:s8], $0x8000  }
0xb3: {  	[sflag:s8] =	ssyncset.done $0x0  }
0xb4: {  	[sflag:s8] =	ssyncadd.s32 $0xFFFF8000  }
0xb5: {  	[tilespmem:s9], [sflag:$0x3] =	stream.indirect.gather [hbm4b:s3+s10], $0x80, s22, s10, $0xb8;
	[tilespmem:$0x19900] =	vst v63  }
0xb6: {  	_ =	swait.ge [sflag:s13], $0x8000  }
0xb7: {  	[sflag:s13] =	ssyncset.done $0x0  }
0xb8: {  	s0 =	rddreg [dreg:$0x14];
	[sflag:s13] =	ssyncadd.s32 $0xFFFF8000  }
0xb9: {  	[hbm4b:s0+s2] =	stream.linear.scatter [tilespmem:s7], [sflag:$0x7], $0x8000, $0x38;
	[tilespmem:$0x19900] =	vst v63  }
0xba: {  	_ =	swait.ge [sflag:s11], $0x8000  }
0xbb: {  	[sflag:s11] =	ssyncset.done $0x0  }
0xbc: {  	[sflag:s11] =	ssyncadd.s32 $0xFFFF8000  }
0xbd: {  	[tilespmem:s7], [sflag:$0x4] =	stream.indirect.gather [hbm4b:s3+s10], $0x80, s21, s10, $0xb8;
	[tilespmem:$0x19900] =	vst v63  }
0xbe: {  	_ =	swait.ge [sflag:s6], $0x8000  }
0xbf: {  	[sflag:s6] =	ssyncset.done $0x0  }
0xc0: {  	s0 =	rddreg [dreg:$0x15];
	[sflag:s6] =	ssyncadd.s32 $0xFFFF8000  }
0xc1: {  	[hbm4b:s0+s2] =	stream.linear.scatter [tilespmem:s4], [sflag:$0x5], $0x8000, $0x38;
	[tilespmem:$0x19900] =	vst v63  }
0xc2: {  	_ =	swait.ge [sflag:s5], $0x8000  }
0xc3: {  	[sflag:s5] =	ssyncset.done $0x0  }
0xc4: {  	[sflag:s5] =	ssyncadd.s32 $0xFFFF8000  }
0xc5: {  	[tilespmem:s4], [sflag:$0x2] =	stream.indirect.gather [hbm4b:s3+s10], $0x80, s20, s10, $0xb8;
	[tilespmem:$0x19900] =	vst v63  }
0xc6: {  	_ =	swait.ge [sflag:s12], $0x8000  }
0xc7: {  	[sflag:s12] =	ssyncset.done $0x0  }
0xc8: {  	s0 =	rddreg [dreg:$0x16];
	[sflag:s12] =	ssyncadd.s32 $0xFFFF8000  }
0xc9: {  	[hbm4b:s0+s2] =	stream.linear.scatter [tilespmem:s9], [sflag:$0x6], $0x8000, $0x38;
	[tilespmem:$0x19900] =	vst v63  }
0xca: {  	_ =	swait.ge [sflag:s8], $0x8000  }
0xcb: {  	[sflag:s8] =	ssyncset.done $0x0  }
0xcc: {  	[sflag:s8] =	ssyncadd.s32 $0xFFFF8000  }
0xcd: {  	[tilespmem:s9], [sflag:$0x3] =	stream.indirect.gather [hbm4b:s3+s10], $0x80, s19, s10, $0xb8;
	[tilespmem:$0x19900] =	vst v63  }
0xce: {  	_ =	swait.ge [sflag:s13], $0x8000  }
0xcf: {  	[sflag:s13] =	ssyncset.done $0x0  }
0xd0: {  	s0 =	rddreg [dreg:$0x17];
	[sflag:s13] =	ssyncadd.s32 $0xFFFF8000  }
0xd1: {  	[hbm4b:s0+s2] =	stream.linear.scatter [tilespmem:s7], [sflag:$0x7], $0x8000, $0x38;
	[tilespmem:$0x19900] =	vst v63  }
0xd2: {  	_ =	swait.ge [sflag:s11], $0x8000  }
0xd3: {  	[sflag:s11] =	ssyncset.done $0x0  }
0xd4: {  	[sflag:s11] =	ssyncadd.s32 $0xFFFF8000  }
0xd5: {  	[tilespmem:s7], [sflag:$0x4] =	stream.indirect.gather [hbm4b:s3+s10], $0x80, s18, s10, $0xb8;
	[tilespmem:$0x19900] =	vst v63  }
0xd6: {  	_ =	swait.ge [sflag:s6], $0x8000  }
0xd7: {  	[sflag:s6] =	ssyncset.done $0x0  }
0xd8: {  	s0 =	rddreg [dreg:$0x18];
	[sflag:s6] =	ssyncadd.s32 $0xFFFF8000  }
0xd9: {  	[hbm4b:s0+s2] =	stream.linear.scatter [tilespmem:s4], [sflag:$0x5], $0x8000, $0x38;
	[tilespmem:$0x19900] =	vst v63  }
0xda: {  	_ =	swait.ge [sflag:s5], $0x8000  }
0xdb: {  	[sflag:s5] =	ssyncset.done $0x0  }
0xdc: {  	[sflag:s5] =	ssyncadd.s32 $0xFFFF8000  }
0xdd: {  	[tilespmem:s4], [sflag:$0x2] =	stream.indirect.gather [hbm4b:s3+s10], $0x80, s17, s10, $0xb8;
	[tilespmem:$0x19900] =	vst v63  }
0xde: {  	_ =	swait.ge [sflag:s12], $0x8000  }
0xdf: {  	[sflag:s12] =	ssyncset.done $0x0  }
0xe0: {  	s0 =	rddreg [dreg:$0x19];
	[sflag:s12] =	ssyncadd.s32 $0xFFFF8000  }
0xe1: {  	[hbm4b:s0+s2] =	stream.linear.scatter [tilespmem:s9], [sflag:$0x6], $0x8000, $0x38;
	[tilespmem:$0x19900] =	vst v63  }
0xe2: {  	_ =	swait.ge [sflag:s8], $0x8000  }
0xe3: {  	[sflag:s8] =	ssyncset.done $0x0  }
0xe4: {  	[sflag:s8] =	ssyncadd.s32 $0xFFFF8000  }
0xe5: {  	[tilespmem:s9], [sflag:$0x3] =	stream.indirect.gather [hbm4b:s3+s10], $0x80, s16, s10, $0xb8;
	[tilespmem:$0x19900] =	vst v63  }
0xe6: {  	_ =	swait.ge [sflag:s13], $0x8000  }
0xe7: {  	[sflag:s13] =	ssyncset.done $0x0  }
0xe8: {  	s0 =	rddreg [dreg:$0x1a];
	[sflag:s13] =	ssyncadd.s32 $0xFFFF8000  }
0xe9: {  	[hbm4b:s0+s2] =	stream.linear.scatter [tilespmem:s7], [sflag:$0x7], $0x8000, $0x38;
	[tilespmem:$0x19900] =	vst v63  }
0xea: {  	_ =	swait.ge [sflag:s11], $0x8000  }
0xeb: {  	[sflag:s11] =	ssyncset.done $0x0  }
0xec: {  	[sflag:s11] =	ssyncadd.s32 $0xFFFF8000  }
0xed: {  	[tilespmem:s7], [sflag:$0x4] =	stream.indirect.gather [hbm4b:s3+s10], $0x80, s15, s10, $0xb8;
	[tilespmem:$0x19900] =	vst v63  }
0xee: {  	_ =	swait.ge [sflag:s6], $0x8000  }
0xef: {  	[sflag:s6] =	ssyncset.done $0x0  }
0xf0: {  	s0 =	rddreg [dreg:$0x1b];
	[sflag:s6] =	ssyncadd.s32 $0xFFFF8000  }
0xf1: {  	[hbm4b:s0+s2] =	stream.linear.scatter [tilespmem:s4], [sflag:$0x5], $0x8000, $0x38;
	[tilespmem:$0x19900] =	vst v63  }
0xf2: {  	_ =	swait.ge [sflag:s5], $0x8000  }
0xf3: {  	[sflag:s5] =	ssyncset.done $0x0  }
0xf4: {  	[sflag:s5] =	ssyncadd.s32 $0xFFFF8000  }
0xf5: {  	[tilespmem:s4], [sflag:$0x2] =	stream.indirect.gather [hbm4b:s3+s10], $0x80, s14, s10, $0xb8;
	[tilespmem:$0x19900] =	vst v63  }
0xf6: {  	_ =	swait.ge [sflag:s12], $0x8000  }
0xf7: {  	[sflag:s12] =	ssyncset.done $0x0  }
0xf8: {  	s0 =	rddreg [dreg:$0x1c];
	[sflag:s12] =	ssyncadd.s32 $0xFFFF8000  }
0xf9: {  	[hbm4b:s0+s2] =	stream.linear.scatter [tilespmem:s9], [sflag:$0x6], $0x8000, $0x38;
	[tilespmem:$0x19900] =	vst v63  }
0xfa: {  	_ =	swait.ge [sflag:s13], $0x8000  }
0xfb: {  	[sflag:s13] =	ssyncset.done $0x0  }
0xfc: {  	s0 =	rddreg [dreg:$0x1d];
	[sflag:s13] =	ssyncadd.s32 $0xFFFF8000  }
0xfd: {  	[hbm4b:s0+s2] =	stream.linear.scatter [tilespmem:s7], [sflag:$0x7], $0x8000, $0x38;
	[tilespmem:$0x19900] =	vst v63  }
0xfe: {  	_ =	swait.ge [sflag:s6], $0x8000  }
0xff: {  	[sflag:s6] =	ssyncset.done $0x0  }
0x100: {  	s0 =	rddreg [dreg:$0x1e];
	[sflag:s6] =	ssyncadd.s32 $0xFFFF8000  }
0x101: {  	[hbm4b:s0+s2] =	stream.linear.scatter [tilespmem:s4], [sflag:$0x5], $0x8000, $0x38;
	[tilespmem:$0x19900] =	vst v63  }
0x102: {  	_ =	swait.ge [sflag:s5], $0x8000  }
0x103: {  	[sflag:s5] =	ssyncset.done $0x0  }
0x104: {  	p1 =	sne.s32 s1, $0x1;
	[sflag:s5] =	ssyncadd.s32 $0xFFFF8000  }
.Ltmp1:
0x105: {  	_ =	swait.ge [sflag:s8], $0x8000;
	(pc) =	sbr.rel @!p1 .LBB2_3-.Ltmp1, $4  }
0x106: {  	[sflag:s8] =	ssyncset.done $0x0  }
0x107: {  	[sflag:s8] =	ssyncadd.s32 $0xFFFF8000  }
0x108: {  	s1 =	sadd.s32 $0xFFFFFFFF, s1;
	_ =	swait.ge [sflag:s11], $0x8000  }
0x109: {  	p0 =	por $0x1, $0x1;
	s0 =	rddreg [dreg:$0x4];
	[sflag:s11] =	ssyncset.done $0x0  }
.LBB2_2:
0x10a: {  	[sflag:s11] =	ssyncadd.s32 $0xFFFF8000  }
0x10b: {  	[tilespmem:s2], [sflag:$0x8] =	stream.linear.gather [hbm4b:s0+s2], $0x100, $0x38;
	[tilespmem:$0x19900] =	vst v63  }
0x10c: {  	_ =	swait.ge [sflag:s31], $0x100  }
0x10d: {  	[sflag:s31] =	ssyncset.done $0x0  }
0x10e: {  	s0 =	rddreg [dreg:$0x5];
	[sflag:s31] =	ssyncadd.s32 $0xFFFFFF00  }
0x10f: {  	[tilespmem:s10], [sflag:$0x1] =	stream.linear.gather [hbm4b:s0+s2], $0x1800, $0x38;
	[tilespmem:$0x19900] =	vst v63  }
0x110: {  	_ = 	snop  }
0x111: {  	[tilespmem:s4], [sflag:$0x2] =	stream.indirect.gather [hbm4b:s3+s10], $0x80, s2, s10, $0xb8;
	[tilespmem:$0x19900] =	vst v63  }
0x112: {  	_ =	swait.ge [sflag:s30], $0x1800  }
0x113: {  	[sflag:s30] =	ssyncset.done $0x0  }
0x114: {  	[sflag:s30] =	ssyncadd.s32 $0xFFFFE800  }
0x115: {  	[tilespmem:s9], [sflag:$0x3] =	stream.indirect.gather [hbm4b:s3+s10], $0x80, s10, s10, $0xb8;
	[tilespmem:$0x19900] =	vst v63  }
0x116: {  	s0 =	rddreg [dreg:$0x1f]  }
0x117: {  	[tilespmem:s7], [sflag:$0x4] =	stream.indirect.gather [hbm4b:s3+s10], $0x80, s0, s10, $0xb8;
	[tilespmem:$0x19900] =	vst v63  }
0x118: {  	_ =	swait.ge [sflag:s6], $0x8000  }
0x119: {  	[sflag:s6] =	ssyncset.done $0x0  }
0x11a: {  	s0 =	rddreg [dreg:$0x6];
	[sflag:s6] =	ssyncadd.s32 $0xFFFF8000  }
0x11b: {  	[hbm4b:s0+s2] =	stream.linear.scatter [tilespmem:s4], [sflag:$0x5], $0x8000, $0x38;
	[tilespmem:$0x19900] =	vst v63  }
0x11c: {  	_ =	swait.ge [sflag:s5], $0x8000  }
0x11d: {  	s0 =	sld [smem:$0x7F7]  }
0x11e: {  	[sflag:s5] =	ssyncset.done $0x0  }
0x11f: {  	[sflag:s5] =	ssyncadd.s32 $0xFFFF8000  }
0x120: {  	[tilespmem:s4], [sflag:$0x2] =	stream.indirect.gather [hbm4b:s3+s10], $0x80, s0, s10, $0xb8;
	[tilespmem:$0x19900] =	vst v63  }
0x121: {  	_ =	swait.ge [sflag:s12], $0x8000  }
0x122: {  	[sflag:s12] =	ssyncset.done $0x0  }
0x123: {  	s0 =	rddreg [dreg:$0x7];
	[sflag:s12] =	ssyncadd.s32 $0xFFFF8000  }
0x124: {  	[hbm4b:s0+s2] =	stream.linear.scatter [tilespmem:s9], [sflag:$0x6], $0x8000, $0x38;
	[tilespmem:$0x19900] =	vst v63  }
0x125: {  	_ =	swait.ge [sflag:s8], $0x8000  }
0x126: {  	s0 =	sld [smem:$0x7F8]  }
0x127: {  	[sflag:s8] =	ssyncset.done $0x0  }
0x128: {  	[sflag:s8] =	ssyncadd.s32 $0xFFFF8000  }
0x129: {  	[tilespmem:s9], [sflag:$0x3] =	stream.indirect.gather [hbm4b:s3+s10], $0x80, s0, s10, $0xb8;
	[tilespmem:$0x19900] =	vst v63  }
0x12a: {  	_ =	swait.ge [sflag:s13], $0x8000  }
0x12b: {  	[sflag:s13] =	ssyncset.done $0x0  }
0x12c: {  	s0 =	rddreg [dreg:$0x8];
	[sflag:s13] =	ssyncadd.s32 $0xFFFF8000  }
0x12d: {  	[hbm4b:s0+s2] =	stream.linear.scatter [tilespmem:s7], [sflag:$0x7], $0x8000, $0x38;
	[tilespmem:$0x19900] =	vst v63  }
0x12e: {  	_ =	swait.ge [sflag:s11], $0x8000  }
0x12f: {  	s0 =	sld [smem:$0x7F9]  }
0x130: {  	[sflag:s11] =	ssyncset.done $0x0  }
0x131: {  	[sflag:s11] =	ssyncadd.s32 $0xFFFF8000  }
0x132: {  	[tilespmem:s7], [sflag:$0x4] =	stream.indirect.gather [hbm4b:s3+s10], $0x80, s0, s10, $0xb8;
	[tilespmem:$0x19900] =	vst v63  }
0x133: {  	_ =	swait.ge [sflag:s6], $0x8000  }
0x134: {  	[sflag:s6] =	ssyncset.done $0x0  }
0x135: {  	s0 =	rddreg [dreg:$0x9];
	[sflag:s6] =	ssyncadd.s32 $0xFFFF8000  }
0x136: {  	[hbm4b:s0+s2] =	stream.linear.scatter [tilespmem:s4], [sflag:$0x5], $0x8000, $0x38;
	[tilespmem:$0x19900] =	vst v63  }
0x137: {  	_ =	swait.ge [sflag:s5], $0x8000  }
0x138: {  	s0 =	sld [smem:$0x7FA]  }
0x139: {  	[sflag:s5] =	ssyncset.done $0x0  }
0x13a: {  	[sflag:s5] =	ssyncadd.s32 $0xFFFF8000  }
0x13b: {  	[tilespmem:s4], [sflag:$0x2] =	stream.indirect.gather [hbm4b:s3+s10], $0x80, s0, s10, $0xb8;
	[tilespmem:$0x19900] =	vst v63  }
0x13c: {  	_ =	swait.ge [sflag:s12], $0x8000  }
0x13d: {  	[sflag:s12] =	ssyncset.done $0x0  }
0x13e: {  	s0 =	rddreg [dreg:$0xa];
	[sflag:s12] =	ssyncadd.s32 $0xFFFF8000  }
0x13f: {  	[hbm4b:s0+s2] =	stream.linear.scatter [tilespmem:s9], [sflag:$0x6], $0x8000, $0x38;
	[tilespmem:$0x19900] =	vst v63  }
0x140: {  	_ =	swait.ge [sflag:s8], $0x8000  }
0x141: {  	s0 =	sld [smem:$0x7FB]  }
0x142: {  	[sflag:s8] =	ssyncset.done $0x0  }
0x143: {  	[sflag:s8] =	ssyncadd.s32 $0xFFFF8000  }
0x144: {  	[tilespmem:s9], [sflag:$0x3] =	stream.indirect.gather [hbm4b:s3+s10], $0x80, s0, s10, $0xb8;
	[tilespmem:$0x19900] =	vst v63  }
0x145: {  	_ =	swait.ge [sflag:s13], $0x8000  }
0x146: {  	[sflag:s13] =	ssyncset.done $0x0  }
0x147: {  	s0 =	rddreg [dreg:$0xb];
	[sflag:s13] =	ssyncadd.s32 $0xFFFF8000  }
0x148: {  	[hbm4b:s0+s2] =	stream.linear.scatter [tilespmem:s7], [sflag:$0x7], $0x8000, $0x38;
	[tilespmem:$0x19900] =	vst v63  }
0x149: {  	_ =	swait.ge [sflag:s11], $0x8000  }
0x14a: {  	s0 =	sld [smem:$0x7FC]  }
0x14b: {  	[sflag:s11] =	ssyncset.done $0x0  }
0x14c: {  	[sflag:s11] =	ssyncadd.s32 $0xFFFF8000  }
0x14d: {  	[tilespmem:s7], [sflag:$0x4] =	stream.indirect.gather [hbm4b:s3+s10], $0x80, s0, s10, $0xb8;
	[tilespmem:$0x19900] =	vst v63  }
0x14e: {  	_ =	swait.ge [sflag:s6], $0x8000  }
0x14f: {  	[sflag:s6] =	ssyncset.done $0x0  }
0x150: {  	s0 =	rddreg [dreg:$0xc];
	[sflag:s6] =	ssyncadd.s32 $0xFFFF8000  }
0x151: {  	[hbm4b:s0+s2] =	stream.linear.scatter [tilespmem:s4], [sflag:$0x5], $0x8000, $0x38;
	[tilespmem:$0x19900] =	vst v63  }
0x152: {  	_ =	swait.ge [sflag:s5], $0x8000  }
0x153: {  	s0 =	sld [smem:$0x7FD]  }
0x154: {  	[sflag:s5] =	ssyncset.done $0x0  }
0x155: {  	[sflag:s5] =	ssyncadd.s32 $0xFFFF8000  }
0x156: {  	[tilespmem:s4], [sflag:$0x2] =	stream.indirect.gather [hbm4b:s3+s10], $0x80, s0, s10, $0xb8;
	[tilespmem:$0x19900] =	vst v63  }
0x157: {  	_ =	swait.ge [sflag:s12], $0x8000  }
0x158: {  	[sflag:s12] =	ssyncset.done $0x0  }
0x159: {  	s0 =	rddreg [dreg:$0xd];
	[sflag:s12] =	ssyncadd.s32 $0xFFFF8000  }
0x15a: {  	[hbm4b:s0+s2] =	stream.linear.scatter [tilespmem:s9], [sflag:$0x6], $0x8000, $0x38;
	[tilespmem:$0x19900] =	vst v63  }
0x15b: {  	_ =	swait.ge [sflag:s8], $0x8000  }
0x15c: {  	[sflag:s8] =	ssyncset.done $0x0  }
0x15d: {  	[sflag:s8] =	ssyncadd.s32 $0xFFFF8000  }
0x15e: {  	[tilespmem:s9], [sflag:$0x3] =	stream.indirect.gather [hbm4b:s3+s10], $0x80, s29, s10, $0xb8;
	[tilespmem:$0x19900] =	vst v63  }
0x15f: {  	_ =	swait.ge [sflag:s13], $0x8000  }
0x160: {  	[sflag:s13] =	ssyncset.done $0x0  }
0x161: {  	s0 =	rddreg [dreg:$0xe];
	[sflag:s13] =	ssyncadd.s32 $0xFFFF8000  }
0x162: {  	[hbm4b:s0+s2] =	stream.linear.scatter [tilespmem:s7], [sflag:$0x7], $0x8000, $0x38;
	[tilespmem:$0x19900] =	vst v63  }
0x163: {  	_ =	swait.ge [sflag:s11], $0x8000  }
0x164: {  	[sflag:s11] =	ssyncset.done $0x0  }
0x165: {  	[sflag:s11] =	ssyncadd.s32 $0xFFFF8000  }
0x166: {  	[tilespmem:s7], [sflag:$0x4] =	stream.indirect.gather [hbm4b:s3+s10], $0x80, s28, s10, $0xb8;
	[tilespmem:$0x19900] =	vst v63  }
0x167: {  	_ =	swait.ge [sflag:s6], $0x8000  }
0x168: {  	[sflag:s6] =	ssyncset.done $0x0  }
0x169: {  	s0 =	rddreg [dreg:$0xf];
	[sflag:s6] =	ssyncadd.s32 $0xFFFF8000  }
0x16a: {  	[hbm4b:s0+s2] =	stream.linear.scatter [tilespmem:s4], [sflag:$0x5], $0x8000, $0x38;
	[tilespmem:$0x19900] =	vst v63  }
0x16b: {  	_ =	swait.ge [sflag:s5], $0x8000  }
0x16c: {  	[sflag:s5] =	ssyncset.done $0x0  }
0x16d: {  	[sflag:s5] =	ssyncadd.s32 $0xFFFF8000  }
0x16e: {  	[tilespmem:s4], [sflag:$0x2] =	stream.indirect.gather [hbm4b:s3+s10], $0x80, s26, s10, $0xb8;
	[tilespmem:$0x19900] =	vst v63  }
0x16f: {  	_ =	swait.ge [sflag:s12], $0x8000  }
0x170: {  	[sflag:s12] =	ssyncset.done $0x0  }
0x171: {  	s0 =	rddreg [dreg:$0x10];
	[sflag:s12] =	ssyncadd.s32 $0xFFFF8000  }
0x172: {  	[hbm4b:s0+s2] =	stream.linear.scatter [tilespmem:s9], [sflag:$0x6], $0x8000, $0x38;
	[tilespmem:$0x19900] =	vst v63  }
0x173: {  	_ =	swait.ge [sflag:s8], $0x8000  }
0x174: {  	[sflag:s8] =	ssyncset.done $0x0  }
0x175: {  	[sflag:s8] =	ssyncadd.s32 $0xFFFF8000  }
0x176: {  	[tilespmem:s9], [sflag:$0x3] =	stream.indirect.gather [hbm4b:s3+s10], $0x80, s25, s10, $0xb8;
	[tilespmem:$0x19900] =	vst v63  }
0x177: {  	_ =	swait.ge [sflag:s13], $0x8000  }
0x178: {  	[sflag:s13] =	ssyncset.done $0x0  }
0x179: {  	s0 =	rddreg [dreg:$0x11];
	[sflag:s13] =	ssyncadd.s32 $0xFFFF8000  }
0x17a: {  	[hbm4b:s0+s2] =	stream.linear.scatter [tilespmem:s7], [sflag:$0x7], $0x8000, $0x38;
	[tilespmem:$0x19900] =	vst v63  }
0x17b: {  	_ =	swait.ge [sflag:s11], $0x8000  }
0x17c: {  	[sflag:s11] =	ssyncset.done $0x0  }
0x17d: {  	[sflag:s11] =	ssyncadd.s32 $0xFFFF8000  }
0x17e: {  	[tilespmem:s7], [sflag:$0x4] =	stream.indirect.gather [hbm4b:s3+s10], $0x80, s24, s10, $0xb8;
	[tilespmem:$0x19900] =	vst v63  }
0x17f: {  	_ =	swait.ge [sflag:s6], $0x8000  }
0x180: {  	[sflag:s6] =	ssyncset.done $0x0  }
0x181: {  	s0 =	rddreg [dreg:$0x12];
	[sflag:s6] =	ssyncadd.s32 $0xFFFF8000  }
0x182: {  	[hbm4b:s0+s2] =	stream.linear.scatter [tilespmem:s4], [sflag:$0x5], $0x8000, $0x38;
	[tilespmem:$0x19900] =	vst v63  }
0x183: {  	_ =	swait.ge [sflag:s5], $0x8000  }
0x184: {  	[sflag:s5] =	ssyncset.done $0x0  }
0x185: {  	[sflag:s5] =	ssyncadd.s32 $0xFFFF8000  }
0x186: {  	[tilespmem:s4], [sflag:$0x2] =	stream.indirect.gather [hbm4b:s3+s10], $0x80, s23, s10, $0xb8;
	[tilespmem:$0x19900] =	vst v63  }
0x187: {  	_ =	swait.ge [sflag:s12], $0x8000  }
0x188: {  	[sflag:s12] =	ssyncset.done $0x0  }
0x189: {  	s0 =	rddreg [dreg:$0x13];
	[sflag:s12] =	ssyncadd.s32 $0xFFFF8000  }
0x18a: {  	[hbm4b:s0+s2] =	stream.linear.scatter [tilespmem:s9], [sflag:$0x6], $0x8000, $0x38;
	[tilespmem:$0x19900] =	vst v63  }
0x18b: {  	_ =	swait.ge [sflag:s8], $0x8000  }
0x18c: {  	[sflag:s8] =	ssyncset.done $0x0  }
0x18d: {  	[sflag:s8] =	ssyncadd.s32 $0xFFFF8000  }
0x18e: {  	[tilespmem:s9], [sflag:$0x3] =	stream.indirect.gather [hbm4b:s3+s10], $0x80, s22, s10, $0xb8;
	[tilespmem:$0x19900] =	vst v63  }
0x18f: {  	_ =	swait.ge [sflag:s13], $0x8000  }
0x190: {  	[sflag:s13] =	ssyncset.done $0x0  }
0x191: {  	s0 =	rddreg [dreg:$0x14];
	[sflag:s13] =	ssyncadd.s32 $0xFFFF8000  }
0x192: {  	[hbm4b:s0+s2] =	stream.linear.scatter [tilespmem:s7], [sflag:$0x7], $0x8000, $0x38;
	[tilespmem:$0x19900] =	vst v63  }
0x193: {  	_ =	swait.ge [sflag:s11], $0x8000  }
0x194: {  	[sflag:s11] =	ssyncset.done $0x0  }
0x195: {  	[sflag:s11] =	ssyncadd.s32 $0xFFFF8000  }
0x196: {  	[tilespmem:s7], [sflag:$0x4] =	stream.indirect.gather [hbm4b:s3+s10], $0x80, s21, s10, $0xb8;
	[tilespmem:$0x19900] =	vst v63  }
0x197: {  	_ =	swait.ge [sflag:s6], $0x8000  }
0x198: {  	[sflag:s6] =	ssyncset.done $0x0  }
0x199: {  	s0 =	rddreg [dreg:$0x15];
	[sflag:s6] =	ssyncadd.s32 $0xFFFF8000  }
0x19a: {  	[hbm4b:s0+s2] =	stream.linear.scatter [tilespmem:s4], [sflag:$0x5], $0x8000, $0x38;
	[tilespmem:$0x19900] =	vst v63  }
0x19b: {  	_ =	swait.ge [sflag:s5], $0x8000  }
0x19c: {  	[sflag:s5] =	ssyncset.done $0x0  }
0x19d: {  	[sflag:s5] =	ssyncadd.s32 $0xFFFF8000  }
0x19e: {  	[tilespmem:s4], [sflag:$0x2] =	stream.indirect.gather [hbm4b:s3+s10], $0x80, s20, s10, $0xb8;
	[tilespmem:$0x19900] =	vst v63  }
0x19f: {  	_ =	swait.ge [sflag:s12], $0x8000  }
0x1a0: {  	[sflag:s12] =	ssyncset.done $0x0  }
0x1a1: {  	s0 =	rddreg [dreg:$0x16];
	[sflag:s12] =	ssyncadd.s32 $0xFFFF8000  }
0x1a2: {  	[hbm4b:s0+s2] =	stream.linear.scatter [tilespmem:s9], [sflag:$0x6], $0x8000, $0x38;
	[tilespmem:$0x19900] =	vst v63  }
0x1a3: {  	_ =	swait.ge [sflag:s8], $0x8000  }
0x1a4: {  	[sflag:s8] =	ssyncset.done $0x0  }
0x1a5: {  	[sflag:s8] =	ssyncadd.s32 $0xFFFF8000  }
0x1a6: {  	[tilespmem:s9], [sflag:$0x3] =	stream.indirect.gather [hbm4b:s3+s10], $0x80, s19, s10, $0xb8;
	[tilespmem:$0x19900] =	vst v63  }
0x1a7: {  	_ =	swait.ge [sflag:s13], $0x8000  }
0x1a8: {  	[sflag:s13] =	ssyncset.done $0x0  }
0x1a9: {  	s0 =	rddreg [dreg:$0x17];
	[sflag:s13] =	ssyncadd.s32 $0xFFFF8000  }
0x1aa: {  	[hbm4b:s0+s2] =	stream.linear.scatter [tilespmem:s7], [sflag:$0x7], $0x8000, $0x38;
	[tilespmem:$0x19900] =	vst v63  }
0x1ab: {  	_ =	swait.ge [sflag:s11], $0x8000  }
0x1ac: {  	[sflag:s11] =	ssyncset.done $0x0  }
0x1ad: {  	[sflag:s11] =	ssyncadd.s32 $0xFFFF8000  }
0x1ae: {  	[tilespmem:s7], [sflag:$0x4] =	stream.indirect.gather [hbm4b:s3+s10], $0x80, s18, s10, $0xb8;
	[tilespmem:$0x19900] =	vst v63  }
0x1af: {  	_ =	swait.ge [sflag:s6], $0x8000  }
0x1b0: {  	[sflag:s6] =	ssyncset.done $0x0  }
0x1b1: {  	s0 =	rddreg [dreg:$0x18];
	[sflag:s6] =	ssyncadd.s32 $0xFFFF8000  }
0x1b2: {  	[hbm4b:s0+s2] =	stream.linear.scatter [tilespmem:s4], [sflag:$0x5], $0x8000, $0x38;
	[tilespmem:$0x19900] =	vst v63  }
0x1b3: {  	_ =	swait.ge [sflag:s5], $0x8000  }
0x1b4: {  	[sflag:s5] =	ssyncset.done $0x0  }
0x1b5: {  	[sflag:s5] =	ssyncadd.s32 $0xFFFF8000  }
0x1b6: {  	[tilespmem:s4], [sflag:$0x2] =	stream.indirect.gather [hbm4b:s3+s10], $0x80, s17, s10, $0xb8;
	[tilespmem:$0x19900] =	vst v63  }
0x1b7: {  	_ =	swait.ge [sflag:s12], $0x8000  }
0x1b8: {  	[sflag:s12] =	ssyncset.done $0x0  }
0x1b9: {  	s0 =	rddreg [dreg:$0x19];
	[sflag:s12] =	ssyncadd.s32 $0xFFFF8000  }
0x1ba: {  	[hbm4b:s0+s2] =	stream.linear.scatter [tilespmem:s9], [sflag:$0x6], $0x8000, $0x38;
	[tilespmem:$0x19900] =	vst v63  }
0x1bb: {  	_ =	swait.ge [sflag:s8], $0x8000  }
0x1bc: {  	[sflag:s8] =	ssyncset.done $0x0  }
0x1bd: {  	[sflag:s8] =	ssyncadd.s32 $0xFFFF8000  }
0x1be: {  	[tilespmem:s9], [sflag:$0x3] =	stream.indirect.gather [hbm4b:s3+s10], $0x80, s16, s10, $0xb8;
	[tilespmem:$0x19900] =	vst v63  }
0x1bf: {  	_ =	swait.ge [sflag:s13], $0x8000  }
0x1c0: {  	[sflag:s13] =	ssyncset.done $0x0  }
0x1c1: {  	s0 =	rddreg [dreg:$0x1a];
	[sflag:s13] =	ssyncadd.s32 $0xFFFF8000  }
0x1c2: {  	[hbm4b:s0+s2] =	stream.linear.scatter [tilespmem:s7], [sflag:$0x7], $0x8000, $0x38;
	[tilespmem:$0x19900] =	vst v63  }
0x1c3: {  	_ =	swait.ge [sflag:s11], $0x8000  }
0x1c4: {  	[sflag:s11] =	ssyncset.done $0x0  }
0x1c5: {  	[sflag:s11] =	ssyncadd.s32 $0xFFFF8000  }
0x1c6: {  	[tilespmem:s7], [sflag:$0x4] =	stream.indirect.gather [hbm4b:s3+s10], $0x80, s15, s10, $0xb8;
	[tilespmem:$0x19900] =	vst v63  }
0x1c7: {  	_ =	swait.ge [sflag:s6], $0x8000  }
0x1c8: {  	[sflag:s6] =	ssyncset.done $0x0  }
0x1c9: {  	s0 =	rddreg [dreg:$0x1b];
	[sflag:s6] =	ssyncadd.s32 $0xFFFF8000  }
0x1ca: {  	[hbm4b:s0+s2] =	stream.linear.scatter [tilespmem:s4], [sflag:$0x5], $0x8000, $0x38;
	[tilespmem:$0x19900] =	vst v63  }
0x1cb: {  	_ =	swait.ge [sflag:s5], $0x8000  }
0x1cc: {  	[sflag:s5] =	ssyncset.done $0x0  }
0x1cd: {  	[sflag:s5] =	ssyncadd.s32 $0xFFFF8000  }
0x1ce: {  	[tilespmem:s4], [sflag:$0x2] =	stream.indirect.gather [hbm4b:s3+s10], $0x80, s14, s10, $0xb8;
	[tilespmem:$0x19900] =	vst v63  }
0x1cf: {  	_ =	swait.ge [sflag:s12], $0x8000  }
0x1d0: {  	[sflag:s12] =	ssyncset.done $0x0  }
0x1d1: {  	s0 =	rddreg [dreg:$0x1c];
	[sflag:s12] =	ssyncadd.s32 $0xFFFF8000  }
0x1d2: {  	[hbm4b:s0+s2] =	stream.linear.scatter [tilespmem:s9], [sflag:$0x6], $0x8000, $0x38;
	[tilespmem:$0x19900] =	vst v63  }
0x1d3: {  	_ =	swait.ge [sflag:s13], $0x8000  }
0x1d4: {  	[sflag:s13] =	ssyncset.done $0x0  }
0x1d5: {  	s0 =	rddreg [dreg:$0x1d];
	[sflag:s13] =	ssyncadd.s32 $0xFFFF8000  }
0x1d6: {  	[hbm4b:s0+s2] =	stream.linear.scatter [tilespmem:s7], [sflag:$0x7], $0x8000, $0x38;
	[tilespmem:$0x19900] =	vst v63  }
0x1d7: {  	_ =	swait.ge [sflag:s6], $0x8000  }
0x1d8: {  	[sflag:s6] =	ssyncset.done $0x0  }
0x1d9: {  	s0 =	rddreg [dreg:$0x1e];
	[sflag:s6] =	ssyncadd.s32 $0xFFFF8000  }
0x1da: {  	[hbm4b:s0+s2] =	stream.linear.scatter [tilespmem:s4], [sflag:$0x5], $0x8000, $0x38;
	[tilespmem:$0x19900] =	vst v63  }
0x1db: {  	_ =	swait.ge [sflag:s5], $0x8000  }
0x1dc: {  	[sflag:s5] =	ssyncset.done $0x0  }
0x1dd: {  	p1 =	sne.s32 s1, $0x1;
	[sflag:s5] =	ssyncadd.s32 $0xFFFF8000  }
.Ltmp2:
0x1de: {  	_ =	swait.ge [sflag:s8], $0x8000;
	(pc) =	sbr.rel @p1 .LBB2_2-.Ltmp2, $4  }
0x1df: {  	[sflag:s8] =	ssyncset.done $0x0  }
0x1e0: {  	[sflag:s8] =	ssyncadd.s32 $0xFFFF8000  }
0x1e1: {  	_ =	swait.ge [sflag:s11], $0x8000  }
0x1e2: {  	s1 =	sadd.s32 $0xFFFFFFFF, s1;
	s0 =	rddreg [dreg:$0x4];
	[sflag:s11] =	ssyncset.done $0x0  }
.LBB2_3:
0x1e3: {  	[sflag:s11] =	ssyncadd.s32 @p0 $0xFFFF8000  }
0x1e4: {  	[tilespmem:s2], [sflag:$0x8] =	stream.linear.gather [hbm4b:s0+s2], $0x100, $0x38;
	[tilespmem:$0x19900] =	vst v63  }
0x1e5: {  	_ =	swait.ge [sflag:s31], $0x100  }
0x1e6: {  	[sflag:s31] =	ssyncset.done $0x0  }
0x1e7: {  	s1 =	rddreg [dreg:$0x5];
	[sflag:s31] =	ssyncadd.s32 $0xFFFFFF00  }
0x1e8: {  	[tilespmem:s10], [sflag:$0x1] =	stream.linear.gather [hbm4b:s1+s2], $0x1800, $0x38;
	[tilespmem:$0x19900] =	vst v63  }
0x1e9: {  	_ = 	snop  }
0x1ea: {  	[tilespmem:s4], [sflag:$0x2] =	stream.indirect.gather [hbm4b:s3+s10], $0x80, s2, s10, $0xb8;
	[tilespmem:$0x19900] =	vst v63  }
0x1eb: {  	_ =	swait.ge [sflag:s30], $0x1800  }
0x1ec: {  	[sflag:s30] =	ssyncset.done $0x0  }
0x1ed: {  	[sflag:s30] =	ssyncadd.s32 $0xFFFFE800  }
0x1ee: {  	[tilespmem:s9], [sflag:$0x3] =	stream.indirect.gather [hbm4b:s3+s10], $0x80, s10, s10, $0xb8;
	[tilespmem:$0x19900] =	vst v63  }
0x1ef: {  	s30 =	rddreg [dreg:$0x1f]  }
0x1f0: {  	[tilespmem:s7], [sflag:$0x4] =	stream.indirect.gather [hbm4b:s3+s10], $0x80, s30, s10, $0xb8;
	[tilespmem:$0x19900] =	vst v63  }
0x1f1: {  	_ =	swait.ge [sflag:s6], $0x8000  }
0x1f2: {  	[sflag:s6] =	ssyncset.done $0x0  }
0x1f3: {  	s31 =	rddreg [dreg:$0x6];
	[sflag:s6] =	ssyncadd.s32 $0xFFFF8000  }
0x1f4: {  	[hbm4b:s31+s2] =	stream.linear.scatter [tilespmem:s4], [sflag:$0x5], $0x8000, $0x38;
	[tilespmem:$0x19900] =	vst v63  }
0x1f5: {  	_ =	swait.ge [sflag:s5], $0x8000  }
0x1f6: {  	s1 =	sld [smem:$0x7F7]  }
0x1f7: {  	[sflag:s5] =	ssyncset.done $0x0  }
0x1f8: {  	[sflag:s5] =	ssyncadd.s32 $0xFFFF8000  }
0x1f9: {  	[tilespmem:s4], [sflag:$0x2] =	stream.indirect.gather [hbm4b:s3+s10], $0x80, s1, s10, $0xb8;
	[tilespmem:$0x19900] =	vst v63  }
0x1fa: {  	_ =	swait.ge [sflag:s12], $0x8000  }
0x1fb: {  	[sflag:s12] =	ssyncset.done $0x0  }
0x1fc: {  	s30 =	rddreg [dreg:$0x7];
	[sflag:s12] =	ssyncadd.s32 $0xFFFF8000  }
0x1fd: {  	[hbm4b:s30+s2] =	stream.linear.scatter [tilespmem:s9], [sflag:$0x6], $0x8000, $0x38;
	[tilespmem:$0x19900] =	vst v63  }
0x1fe: {  	_ =	swait.ge [sflag:s8], $0x8000  }
0x1ff: {  	s31 =	sld [smem:$0x7F8]  }
0x200: {  	[sflag:s8] =	ssyncset.done $0x0  }
0x201: {  	[sflag:s8] =	ssyncadd.s32 $0xFFFF8000  }
0x202: {  	[tilespmem:s9], [sflag:$0x3] =	stream.indirect.gather [hbm4b:s3+s10], $0x80, s31, s10, $0xb8;
	[tilespmem:$0x19900] =	vst v63  }
0x203: {  	_ =	swait.ge [sflag:s13], $0x8000  }
0x204: {  	[sflag:s13] =	ssyncset.done $0x0  }
0x205: {  	s1 =	rddreg [dreg:$0x8];
	[sflag:s13] =	ssyncadd.s32 $0xFFFF8000  }
0x206: {  	[hbm4b:s1+s2] =	stream.linear.scatter [tilespmem:s7], [sflag:$0x7], $0x8000, $0x38;
	[tilespmem:$0x19900] =	vst v63  }
0x207: {  	_ =	swait.ge [sflag:s11], $0x8000  }
0x208: {  	s30 =	sld [smem:$0x7F9]  }
0x209: {  	[sflag:s11] =	ssyncset.done $0x0  }
0x20a: {  	[sflag:s11] =	ssyncadd.s32 $0xFFFF8000  }
0x20b: {  	[tilespmem:s7], [sflag:$0x4] =	stream.indirect.gather [hbm4b:s3+s10], $0x80, s30, s10, $0xb8;
	[tilespmem:$0x19900] =	vst v63  }
0x20c: {  	_ =	swait.ge [sflag:s6], $0x8000  }
0x20d: {  	[sflag:s6] =	ssyncset.done $0x0  }
0x20e: {  	s31 =	rddreg [dreg:$0x9];
	[sflag:s6] =	ssyncadd.s32 $0xFFFF8000  }
0x20f: {  	[hbm4b:s31+s2] =	stream.linear.scatter [tilespmem:s4], [sflag:$0x5], $0x8000, $0x38;
	[tilespmem:$0x19900] =	vst v63  }
0x210: {  	_ =	swait.ge [sflag:s5], $0x8000  }
0x211: {  	s1 =	sld [smem:$0x7FA]  }
0x212: {  	[sflag:s5] =	ssyncset.done $0x0  }
0x213: {  	[sflag:s5] =	ssyncadd.s32 $0xFFFF8000  }
0x214: {  	[tilespmem:s4], [sflag:$0x2] =	stream.indirect.gather [hbm4b:s3+s10], $0x80, s1, s10, $0xb8;
	[tilespmem:$0x19900] =	vst v63  }
0x215: {  	_ =	swait.ge [sflag:s12], $0x8000  }
0x216: {  	[sflag:s12] =	ssyncset.done $0x0  }
0x217: {  	s30 =	rddreg [dreg:$0xa];
	[sflag:s12] =	ssyncadd.s32 $0xFFFF8000  }
0x218: {  	[hbm4b:s30+s2] =	stream.linear.scatter [tilespmem:s9], [sflag:$0x6], $0x8000, $0x38;
	[tilespmem:$0x19900] =	vst v63  }
0x219: {  	_ =	swait.ge [sflag:s8], $0x8000  }
0x21a: {  	s31 =	sld [smem:$0x7FB]  }
0x21b: {  	[sflag:s8] =	ssyncset.done $0x0  }
0x21c: {  	[sflag:s8] =	ssyncadd.s32 $0xFFFF8000  }
0x21d: {  	[tilespmem:s9], [sflag:$0x3] =	stream.indirect.gather [hbm4b:s3+s10], $0x80, s31, s10, $0xb8;
	[tilespmem:$0x19900] =	vst v63  }
0x21e: {  	_ =	swait.ge [sflag:s13], $0x8000  }
0x21f: {  	[sflag:s13] =	ssyncset.done $0x0  }
0x220: {  	s1 =	rddreg [dreg:$0xb];
	[sflag:s13] =	ssyncadd.s32 $0xFFFF8000  }
0x221: {  	[hbm4b:s1+s2] =	stream.linear.scatter [tilespmem:s7], [sflag:$0x7], $0x8000, $0x38;
	[tilespmem:$0x19900] =	vst v63  }
0x222: {  	_ =	swait.ge [sflag:s11], $0x8000  }
0x223: {  	s30 =	sld [smem:$0x7FC]  }
0x224: {  	[sflag:s11] =	ssyncset.done $0x0  }
0x225: {  	[sflag:s11] =	ssyncadd.s32 $0xFFFF8000  }
0x226: {  	[tilespmem:s7], [sflag:$0x4] =	stream.indirect.gather [hbm4b:s3+s10], $0x80, s30, s10, $0xb8;
	[tilespmem:$0x19900] =	vst v63  }
0x227: {  	_ =	swait.ge [sflag:s6], $0x8000  }
0x228: {  	[sflag:s6] =	ssyncset.done $0x0  }
0x229: {  	s31 =	rddreg [dreg:$0xc];
	[sflag:s6] =	ssyncadd.s32 $0xFFFF8000  }
0x22a: {  	[hbm4b:s31+s2] =	stream.linear.scatter [tilespmem:s4], [sflag:$0x5], $0x8000, $0x38;
	[tilespmem:$0x19900] =	vst v63  }
0x22b: {  	_ =	swait.ge [sflag:s5], $0x8000  }
0x22c: {  	s1 =	sld [smem:$0x7FD]  }
0x22d: {  	[sflag:s5] =	ssyncset.done $0x0  }
0x22e: {  	[sflag:s5] =	ssyncadd.s32 $0xFFFF8000  }
0x22f: {  	[tilespmem:s4], [sflag:$0x2] =	stream.indirect.gather [hbm4b:s3+s10], $0x80, s1, s10, $0xb8;
	[tilespmem:$0x19900] =	vst v63  }
0x230: {  	_ =	swait.ge [sflag:s12], $0x8000  }
0x231: {  	[sflag:s12] =	ssyncset.done $0x0  }
0x232: {  	s30 =	rddreg [dreg:$0xd];
	[sflag:s12] =	ssyncadd.s32 $0xFFFF8000  }
0x233: {  	[hbm4b:s30+s2] =	stream.linear.scatter [tilespmem:s9], [sflag:$0x6], $0x8000, $0x38;
	[tilespmem:$0x19900] =	vst v63  }
0x234: {  	_ =	swait.ge [sflag:s8], $0x8000  }
0x235: {  	[sflag:s8] =	ssyncset.done $0x0  }
0x236: {  	[sflag:s8] =	ssyncadd.s32 $0xFFFF8000  }
0x237: {  	[tilespmem:s9], [sflag:$0x3] =	stream.indirect.gather [hbm4b:s3+s10], $0x80, s29, s10, $0xb8;
	[tilespmem:$0x19900] =	vst v63  }
0x238: {  	_ =	swait.ge [sflag:s13], $0x8000  }
0x239: {  	[sflag:s13] =	ssyncset.done $0x0  }
0x23a: {  	s31 =	rddreg [dreg:$0xe];
	[sflag:s13] =	ssyncadd.s32 $0xFFFF8000  }
0x23b: {  	[hbm4b:s31+s2] =	stream.linear.scatter [tilespmem:s7], [sflag:$0x7], $0x8000, $0x38;
	[tilespmem:$0x19900] =	vst v63  }
0x23c: {  	_ =	swait.ge [sflag:s11], $0x8000  }
0x23d: {  	[sflag:s11] =	ssyncset.done $0x0  }
0x23e: {  	[sflag:s11] =	ssyncadd.s32 $0xFFFF8000  }
0x23f: {  	[tilespmem:s7], [sflag:$0x4] =	stream.indirect.gather [hbm4b:s3+s10], $0x80, s28, s10, $0xb8;
	[tilespmem:$0x19900] =	vst v63  }
0x240: {  	_ =	swait.ge [sflag:s6], $0x8000  }
0x241: {  	[sflag:s6] =	ssyncset.done $0x0  }
0x242: {  	s1 =	rddreg [dreg:$0xf];
	[sflag:s6] =	ssyncadd.s32 $0xFFFF8000  }
0x243: {  	[hbm4b:s1+s2] =	stream.linear.scatter [tilespmem:s4], [sflag:$0x5], $0x8000, $0x38;
	[tilespmem:$0x19900] =	vst v63  }
0x244: {  	_ =	swait.ge [sflag:s5], $0x8000  }
0x245: {  	[sflag:s5] =	ssyncset.done $0x0  }
0x246: {  	[sflag:s5] =	ssyncadd.s32 $0xFFFF8000  }
0x247: {  	[tilespmem:s4], [sflag:$0x2] =	stream.indirect.gather [hbm4b:s3+s10], $0x80, s26, s10, $0xb8;
	[tilespmem:$0x19900] =	vst v63  }
0x248: {  	_ =	swait.ge [sflag:s12], $0x8000  }
0x249: {  	[sflag:s12] =	ssyncset.done $0x0  }
0x24a: {  	s26 =	rddreg [dreg:$0x10];
	[sflag:s12] =	ssyncadd.s32 $0xFFFF8000  }
0x24b: {  	[hbm4b:s26+s2] =	stream.linear.scatter [tilespmem:s9], [sflag:$0x6], $0x8000, $0x38;
	[tilespmem:$0x19900] =	vst v63  }
0x24c: {  	_ =	swait.ge [sflag:s8], $0x8000  }
0x24d: {  	[sflag:s8] =	ssyncset.done $0x0  }
0x24e: {  	[sflag:s8] =	ssyncadd.s32 $0xFFFF8000  }
0x24f: {  	[tilespmem:s9], [sflag:$0x3] =	stream.indirect.gather [hbm4b:s3+s10], $0x80, s25, s10, $0xb8;
	[tilespmem:$0x19900] =	vst v63  }
0x250: {  	_ =	swait.ge [sflag:s13], $0x8000  }
0x251: {  	[sflag:s13] =	ssyncset.done $0x0  }
0x252: {  	s28 =	rddreg [dreg:$0x11];
	[sflag:s13] =	ssyncadd.s32 $0xFFFF8000  }
0x253: {  	[hbm4b:s28+s2] =	stream.linear.scatter [tilespmem:s7], [sflag:$0x7], $0x8000, $0x38;
	[tilespmem:$0x19900] =	vst v63  }
0x254: {  	_ =	swait.ge [sflag:s11], $0x8000  }
0x255: {  	[sflag:s11] =	ssyncset.done $0x0  }
0x256: {  	[sflag:s11] =	ssyncadd.s32 $0xFFFF8000  }
0x257: {  	[tilespmem:s7], [sflag:$0x4] =	stream.indirect.gather [hbm4b:s3+s10], $0x80, s24, s10, $0xb8;
	[tilespmem:$0x19900] =	vst v63  }
0x258: {  	_ =	swait.ge [sflag:s6], $0x8000  }
0x259: {  	[sflag:s6] =	ssyncset.done $0x0  }
0x25a: {  	s29 =	rddreg [dreg:$0x12];
	[sflag:s6] =	ssyncadd.s32 $0xFFFF8000  }
0x25b: {  	[hbm4b:s29+s2] =	stream.linear.scatter [tilespmem:s4], [sflag:$0x5], $0x8000, $0x38;
	[tilespmem:$0x19900] =	vst v63  }
0x25c: {  	_ =	swait.ge [sflag:s5], $0x8000  }
0x25d: {  	[sflag:s5] =	ssyncset.done $0x0  }
0x25e: {  	[sflag:s5] =	ssyncadd.s32 $0xFFFF8000  }
0x25f: {  	[tilespmem:s4], [sflag:$0x2] =	stream.indirect.gather [hbm4b:s3+s10], $0x80, s23, s10, $0xb8;
	[tilespmem:$0x19900] =	vst v63  }
0x260: {  	_ =	swait.ge [sflag:s12], $0x8000  }
0x261: {  	[sflag:s12] =	ssyncset.done $0x0  }
0x262: {  	s30 =	rddreg [dreg:$0x13];
	[sflag:s12] =	ssyncadd.s32 $0xFFFF8000  }
0x263: {  	[hbm4b:s30+s2] =	stream.linear.scatter [tilespmem:s9], [sflag:$0x6], $0x8000, $0x38;
	[tilespmem:$0x19900] =	vst v63  }
0x264: {  	_ =	swait.ge [sflag:s8], $0x8000  }
0x265: {  	[sflag:s8] =	ssyncset.done $0x0  }
0x266: {  	[sflag:s8] =	ssyncadd.s32 $0xFFFF8000  }
0x267: {  	[tilespmem:s9], [sflag:$0x3] =	stream.indirect.gather [hbm4b:s3+s10], $0x80, s22, s10, $0xb8;
	[tilespmem:$0x19900] =	vst v63  }
0x268: {  	_ =	swait.ge [sflag:s13], $0x8000  }
0x269: {  	[sflag:s13] =	ssyncset.done $0x0  }
0x26a: {  	s31 =	rddreg [dreg:$0x14];
	[sflag:s13] =	ssyncadd.s32 $0xFFFF8000  }
0x26b: {  	[hbm4b:s31+s2] =	stream.linear.scatter [tilespmem:s7], [sflag:$0x7], $0x8000, $0x38;
	[tilespmem:$0x19900] =	vst v63  }
0x26c: {  	_ =	swait.ge [sflag:s11], $0x8000  }
0x26d: {  	[sflag:s11] =	ssyncset.done $0x0  }
0x26e: {  	[sflag:s11] =	ssyncadd.s32 $0xFFFF8000  }
0x26f: {  	[tilespmem:s7], [sflag:$0x4] =	stream.indirect.gather [hbm4b:s3+s10], $0x80, s21, s10, $0xb8;
	[tilespmem:$0x19900] =	vst v63  }
0x270: {  	_ =	swait.ge [sflag:s6], $0x8000  }
0x271: {  	[sflag:s6] =	ssyncset.done $0x0  }
0x272: {  	s1 =	rddreg [dreg:$0x15];
	[sflag:s6] =	ssyncadd.s32 $0xFFFF8000  }
0x273: {  	[hbm4b:s1+s2] =	stream.linear.scatter [tilespmem:s4], [sflag:$0x5], $0x8000, $0x38;
	[tilespmem:$0x19900] =	vst v63  }
0x274: {  	_ =	swait.ge [sflag:s5], $0x8000  }
0x275: {  	[sflag:s5] =	ssyncset.done $0x0  }
0x276: {  	[sflag:s5] =	ssyncadd.s32 $0xFFFF8000  }
0x277: {  	[tilespmem:s4], [sflag:$0x2] =	stream.indirect.gather [hbm4b:s3+s10], $0x80, s20, s10, $0xb8;
	[tilespmem:$0x19900] =	vst v63  }
0x278: {  	_ =	swait.ge [sflag:s12], $0x8000  }
0x279: {  	[sflag:s12] =	ssyncset.done $0x0  }
0x27a: {  	s21 =	rddreg [dreg:$0x16];
	[sflag:s12] =	ssyncadd.s32 $0xFFFF8000  }
0x27b: {  	[hbm4b:s21+s2] =	stream.linear.scatter [tilespmem:s9], [sflag:$0x6], $0x8000, $0x38;
	[tilespmem:$0x19900] =	vst v63  }
0x27c: {  	_ =	swait.ge [sflag:s8], $0x8000  }
0x27d: {  	[sflag:s8] =	ssyncset.done $0x0  }
0x27e: {  	[sflag:s8] =	ssyncadd.s32 $0xFFFF8000  }
0x27f: {  	[tilespmem:s9], [sflag:$0x3] =	stream.indirect.gather [hbm4b:s3+s10], $0x80, s19, s10, $0xb8;
	[tilespmem:$0x19900] =	vst v63  }
0x280: {  	_ =	swait.ge [sflag:s13], $0x8000  }
0x281: {  	[sflag:s13] =	ssyncset.done $0x0  }
0x282: {  	s22 =	rddreg [dreg:$0x17];
	[sflag:s13] =	ssyncadd.s32 $0xFFFF8000  }
0x283: {  	[hbm4b:s22+s2] =	stream.linear.scatter [tilespmem:s7], [sflag:$0x7], $0x8000, $0x38;
	[tilespmem:$0x19900] =	vst v63  }
0x284: {  	_ =	swait.ge [sflag:s11], $0x8000  }
0x285: {  	[sflag:s11] =	ssyncset.done $0x0  }
0x286: {  	[sflag:s11] =	ssyncadd.s32 $0xFFFF8000  }
0x287: {  	[tilespmem:s7], [sflag:$0x4] =	stream.indirect.gather [hbm4b:s3+s10], $0x80, s18, s10, $0xb8;
	[tilespmem:$0x19900] =	vst v63  }
0x288: {  	_ =	swait.ge [sflag:s6], $0x8000  }
0x289: {  	[sflag:s6] =	ssyncset.done $0x0  }
0x28a: {  	s23 =	rddreg [dreg:$0x18];
	[sflag:s6] =	ssyncadd.s32 $0xFFFF8000  }
0x28b: {  	[hbm4b:s23+s2] =	stream.linear.scatter [tilespmem:s4], [sflag:$0x5], $0x8000, $0x38;
	[tilespmem:$0x19900] =	vst v63  }
0x28c: {  	_ =	swait.ge [sflag:s5], $0x8000  }
0x28d: {  	[sflag:s5] =	ssyncset.done $0x0  }
0x28e: {  	[sflag:s5] =	ssyncadd.s32 $0xFFFF8000  }
0x28f: {  	[tilespmem:s4], [sflag:$0x2] =	stream.indirect.gather [hbm4b:s3+s10], $0x80, s17, s10, $0xb8;
	[tilespmem:$0x19900] =	vst v63  }
0x290: {  	_ =	swait.ge [sflag:s12], $0x8000  }
0x291: {  	[sflag:s12] =	ssyncset.done $0x0  }
0x292: {  	s24 =	rddreg [dreg:$0x19];
	[sflag:s12] =	ssyncadd.s32 $0xFFFF8000  }
0x293: {  	[hbm4b:s24+s2] =	stream.linear.scatter [tilespmem:s9], [sflag:$0x6], $0x8000, $0x38;
	[tilespmem:$0x19900] =	vst v63  }
0x294: {  	_ =	swait.ge [sflag:s8], $0x8000  }
0x295: {  	[sflag:s8] =	ssyncset.done $0x0  }
0x296: {  	[sflag:s8] =	ssyncadd.s32 $0xFFFF8000  }
0x297: {  	[tilespmem:s9], [sflag:$0x3] =	stream.indirect.gather [hbm4b:s3+s10], $0x80, s16, s10, $0xb8;
	[tilespmem:$0x19900] =	vst v63  }
0x298: {  	_ =	swait.ge [sflag:s13], $0x8000  }
0x299: {  	[sflag:s13] =	ssyncset.done $0x0  }
0x29a: {  	s25 =	rddreg [dreg:$0x1a];
	[sflag:s13] =	ssyncadd.s32 $0xFFFF8000  }
0x29b: {  	[hbm4b:s25+s2] =	stream.linear.scatter [tilespmem:s7], [sflag:$0x7], $0x8000, $0x38;
	[tilespmem:$0x19900] =	vst v63  }
0x29c: {  	_ =	swait.ge [sflag:s11], $0x8000  }
0x29d: {  	[sflag:s11] =	ssyncset.done $0x0  }
0x29e: {  	[sflag:s11] =	ssyncadd.s32 $0xFFFF8000  }
0x29f: {  	[tilespmem:s7], [sflag:$0x4] =	stream.indirect.gather [hbm4b:s3+s10], $0x80, s15, s10, $0xb8;
	[tilespmem:$0x19900] =	vst v63  }
0x2a0: {  	_ =	swait.ge [sflag:s6], $0x8000  }
0x2a1: {  	[sflag:s6] =	ssyncset.done $0x0  }
0x2a2: {  	s26 =	rddreg [dreg:$0x1b];
	[sflag:s6] =	ssyncadd.s32 $0xFFFF8000  }
0x2a3: {  	[hbm4b:s26+s2] =	stream.linear.scatter [tilespmem:s4], [sflag:$0x5], $0x8000, $0x38;
	[tilespmem:$0x19900] =	vst v63  }
0x2a4: {  	_ =	swait.ge [sflag:s5], $0x8000  }
0x2a5: {  	[sflag:s5] =	ssyncset.done $0x0  }
0x2a6: {  	[sflag:s5] =	ssyncadd.s32 $0xFFFF8000  }
0x2a7: {  	[tilespmem:s4], [sflag:$0x2] =	stream.indirect.gather [hbm4b:s3+s10], $0x80, s14, s10, $0xb8;
	[tilespmem:$0x19900] =	vst v63  }
0x2a8: {  	_ =	swait.ge [sflag:s12], $0x8000  }
0x2a9: {  	[sflag:s12] =	ssyncset.done $0x0  }
0x2aa: {  	s28 =	rddreg [dreg:$0x1c];
	[sflag:s12] =	ssyncadd.s32 $0xFFFF8000  }
0x2ab: {  	[hbm4b:s28+s2] =	stream.linear.scatter [tilespmem:s9], [sflag:$0x6], $0x8000, $0x38;
	[tilespmem:$0x19900] =	vst v63  }
0x2ac: {  	_ =	swait.ge [sflag:s13], $0x8000  }
0x2ad: {  	[sflag:s13] =	ssyncset.done $0x0  }
0x2ae: {  	s29 =	rddreg [dreg:$0x1d];
	[sflag:s13] =	ssyncadd.s32 $0xFFFF8000  }
0x2af: {  	[hbm4b:s29+s2] =	stream.linear.scatter [tilespmem:s7], [sflag:$0x7], $0x8000, $0x38;
	[tilespmem:$0x19900] =	vst v63  }
0x2b0: {  	_ =	swait.ge [sflag:s6], $0x8000  }
0x2b1: {  	[sflag:s6] =	ssyncset.done $0x0  }
0x2b2: {  	s30 =	rddreg [dreg:$0x1e];
	[sflag:s6] =	ssyncadd.s32 $0xFFFF8000  }
0x2b3: {  	[hbm4b:s30+s2] =	stream.linear.scatter [tilespmem:s4], [sflag:$0x5], $0x8000, $0x38;
	[tilespmem:$0x19900] =	vst v63  }
0x2b4: {  	_ =	swait.ge [sflag:s5], $0x8000  }
0x2b5: {  	[sflag:s5] =	ssyncset.done $0x0  }
0x2b6: {  	[sflag:s5] =	ssyncadd.s32 $0xFFFF8000  }
0x2b7: {  	_ =	swait.ge [sflag:s8], $0x8000  }
0x2b8: {  	[sflag:s8] =	ssyncset.done $0x0  }
0x2b9: {  	[sflag:s8] =	ssyncadd.s32 $0xFFFF8000  }
0x2ba: {  	_ =	swait.ge [sflag:s11], $0x8000  }
0x2bb: {  	[sflag:s11] =	ssyncset.done $0x0  }
0x2bc: {  	[sflag:s11] =	ssyncadd.s32 $0xFFFF8000  }
0x2bd: {  	_ =	sfence.sel $0x180000  }
0x2be: {  	[bflag:$0x0] =	sbarrier.arrive $0xFFFF  }
0x2bf: {  	_ =	strace $0x90000047  }
0x2c0: {  	s31 =	stileid.u32;
	[bflag:$0x2] =	sbarrier.arrive $0xFFFF  }
0x2c1: {  	p0 =	sne.s32 s31, $0x0;
	s0 =	rddreg [dreg:$0x3]  }
0x2c2: {  	s0 =	sadd.s32 @!p0 $0x100000, s0  }
0x2c3: {  	[sflag:s0] =	ssyncadd.tile.s32 @!p0 $0x1;
	_ =	shalt  }
.Lfunc_end2:
_tile_overlayer_lowered:
.L_overlay_start_2:
0x2c4: {  	(tag) =	ssettag $0x2  }
0x2c5: {  	s0 =	rddreg [dreg:$0x0];
	s2 =	stileid.u32  }
0x2c6: {  	s1 =	rddreg [dreg:$0x1];
	p0 =	sne.s32 s2, $0x0  }
0x2c7: {  	s3 =	rddreg [dreg:$0x2];
	[bflag:$0x3] =	sbarrier.arrive $0xFFFF;
	s2 =	simm.s32 @!p0 $0x1C08  }
0x2c8: {  	[timem:s3], [sflag:s2] =	dma.local @!p0 [hbm:s0], s1  }
0x2c9: {  	s0 =	simm.s32 @!p0 $0x8  }
0x2ca: {  	_ =	swait.ge @!p0 [sflag:s0], s1  }
0x2cb: {  	s1 =	ssub.s32 @!p0 $0x0, s1;
	[sflag:s0] =	ssyncset.done @!p0 $0x0  }
0x2cc: {  	[sflag:s0] =	ssyncadd.s32 @!p0 s1  }
0x2cd: {  	[bflag:$0x3] =	sbarrier.arrive $0xFFFF  }
0x2ce: {  	_ =	shalt  }

</sc_bundles>
